<compile_context>
chip_gen: v7x
topology: tpu7x:2x2x1
jax: 0.10.2.dev20260603
libtpu: 0.0.44.dev20260713+nightly
codegen_flags: <defaults>
</compile_context>

<pallas_src>
import functools

import jax
import jax.numpy as jnp
from jax import lax
from jax.experimental import pallas as pl
from jax.experimental.pallas import tpu as pltpu
from jax.experimental.pallas import tpu_sc as plsc

NUM_FIELDS = 26
VOCAB = 100000
EMBED_DIM = 32
BATCH = 4096
SEQ = 20

NC = 2
NS = 16
NW = NC * NS

OUT_BYTES = BATCH * 4


def _make_lookup():
    mesh = plsc.VectorSubcoreMesh(core_axis_name="c", subcore_axis_name="s")

    @functools.partial(
        pl.kernel,
        mesh=mesh,
        out_type=jax.ShapeDtypeStruct((SEQ, NUM_FIELDS * EMBED_DIM, BATCH),
                                      jnp.float32),
        scratch_types=[
            pltpu.VMEM((VOCAB,), jnp.float32),
            pltpu.VMEM((BATCH,), jnp.int32),
            pltpu.VMEM((BATCH,), jnp.int32),
            pltpu.VMEM((BATCH,), jnp.float32),
            pltpu.VMEM((BATCH,), jnp.float32),
            pltpu.VMEM_SHARED((2, 24, BATCH), jnp.int32),
            pltpu.SemaphoreType.DMA,
            pltpu.SemaphoreType.DMA,
            pltpu.SemaphoreType.DMA,
            pltpu.SemaphoreType.DMA,
            pltpu.SemaphoreType.DMA,
            pltpu.SemaphoreType.DMA,
        ],
        compiler_params=pltpu.CompilerParams(needs_layout_passes=False),
    )
    def lookup_kernel(tabT_hbm, xT_hbm, out_hbm, row_v,
                      idx0, idx1, out0, out1, xsh,
                      si0, si1, sw0, sw1, sxh, sr):
        cid = lax.axis_index("c")
        sid = lax.axis_index("s")
        d = sid * NC + cid
        idx_b = (idx0, idx1)
        out_b = (out0, out1)
        si = (si0, si1)
        sw = (sw0, sw1)

        pltpu.async_copy(out0, out_hbm.at[0, d], sw0)
        pltpu.async_copy(out1, out_hbm.at[1, d], sw1)

        def step(f, slot, s, b):
            pltpu.make_async_copy(xsh.at[slot, s], idx_b[b], si[b]).wait()
            pltpu.make_async_copy(
                out_b[b], out_hbm.at[s, f * EMBED_DIM + d], sw[b]).wait()

            @plsc.parallel_loop(0, BATCH // 16, unroll=16)
            def _(j):
                sl = pl.ds(j * 16, 16)
                out_b[b][sl] = plsc.load_gather(row_v, [idx_b[b][sl]])

            pltpu.async_copy(out_b[b], out_hbm.at[s, f * EMBED_DIM + d], sw[b])

            @pl.when(s + 2 < SEQ)
            def _():
                pltpu.async_copy(xsh.at[slot, s + 2], idx_b[b], si[b])

        def field(f, carry):
            slot = f % 2
            pltpu.async_copy(tabT_hbm.at[f, d], row_v, sr)

            @pl.when(sid == 0)
            def _():
                for s in range(SEQ):
                    pltpu.make_async_copy(
                        xT_hbm.at[f, s], xsh.at[slot, s], sxh).wait()

            plsc.subcore_barrier()

            @pl.when(jnp.logical_and(sid == 0, f + 1 < NUM_FIELDS))
            def _():
                for s in range(SEQ):
                    pltpu.async_copy(
                        xT_hbm.at[f + 1, s], xsh.at[(f + 1) % 2, s], sxh)

            pltpu.async_copy(xsh.at[slot, 0], idx0, si0)
            pltpu.async_copy(xsh.at[slot, 1], idx1, si1)
            pltpu.make_async_copy(tabT_hbm.at[f, d], row_v, sr).wait()

            def spair_body(q, carry2):
                step(f, slot, 2 * q, 0)
                step(f, slot, 2 * q + 1, 1)
                return carry2

            lax.fori_loop(0, SEQ // 2, spair_body, 0)
            return carry

        @pl.when(sid == 0)
        def _():
            for s in range(SEQ):
                pltpu.async_copy(xT_hbm.at[0, s], xsh.at[0, s], sxh)

        lax.fori_loop(0, NUM_FIELDS, field, 0)

        pltpu.make_async_copy(out0, out_hbm.at[0, d], sw0).wait()
        pltpu.make_async_copy(out1, out_hbm.at[0, d], sw1).wait()

    return lookup_kernel


_lookup = _make_lookup()


def kernel(x, tables):
    tabT = jnp.transpose(tables, (0, 2, 1))
    xT = jnp.transpose(x, (2, 1, 0))
    out3 = _lookup(tabT, xT)
    return jnp.transpose(out3, (2, 0, 1))

# --- scband reference (transcript-rebuilt; emitter-appended) ---
"""Pipeline reference for scband-embeddings-54906861912400 (READ-ONLY COPY).

The authoritative reference and input builder live on the scoring server;
editing this copy changes nothing except your own understanding.
"""

import jax, jax.numpy as jnp
import numpy as np

NUM_FIELDS = 26
VOCAB = 100000
EMBED_DIM = 32
BATCH = 4096
SEQ = 20


def setup_inputs(seed: int = 0) -> dict:
    key = jax.random.key(seed)
    k_idx, k_tab = jax.random.split(key)
    x = jax.random.randint(k_idx, (BATCH, SEQ, NUM_FIELDS), 0, VOCAB, dtype=jnp.int64 if jax.config.jax_enable_x64 else jnp.int32)
    x = x.astype(jnp.int32)
    # Stacked embedding tables: one [VOCAB, EMBED_DIM] table per field.
    tables = jax.random.normal(k_tab, (NUM_FIELDS, VOCAB, EMBED_DIM), dtype=jnp.float32) * 0.02
    return {"x": x, "tables": tables}


def reference(x, tables):
    # Faithful translation: per-field embedding lookup then concat on last dim.
    out = []
    v = x.shape[-1]
    for i in range(v):
        out.append(jnp.take(tables[i], x[:, :, i], axis=0))
    out = jnp.concatenate(out, axis=2)
    return out

if __name__ == "__main__":
    import jax
    _d = setup_inputs()
    print(jax.jit(kernel)(*tuple(_d.values())))

</pallas_src>

<mosaic_0001>
#map = affine_map<(d0, d1) -> (0, 0, 0)>
module attributes {stable_mosaic.version = 14 : i64} {
  func.func @lookup_kernel(%arg0: i32, %arg1: i32, %arg2: memref<26x32x100000xf32, #tpu.memory_space<hbm>>, %arg3: memref<26x20x4096xi32, #tpu.memory_space<hbm>>, %arg4: memref<20x832x4096xf32, #tpu.memory_space<hbm>>, %arg5: memref<100000xf32, #tpu.memory_space<vmem>>, %arg6: memref<4096xi32, #tpu.memory_space<vmem>>, %arg7: memref<4096xi32, #tpu.memory_space<vmem>>, %arg8: memref<4096xf32, #tpu.memory_space<vmem>>, %arg9: memref<4096xf32, #tpu.memory_space<vmem>>, %arg10: memref<2x24x4096xi32, #tpu.memory_space<vmem_shared>>, %arg11: memref<!tpu.dma_semaphore, #tpu.memory_space<semaphore_mem>>, %arg12: memref<!tpu.dma_semaphore, #tpu.memory_space<semaphore_mem>>, %arg13: memref<!tpu.dma_semaphore, #tpu.memory_space<semaphore_mem>>, %arg14: memref<!tpu.dma_semaphore, #tpu.memory_space<semaphore_mem>>, %arg15: memref<!tpu.dma_semaphore, #tpu.memory_space<semaphore_mem>>, %arg16: memref<!tpu.dma_semaphore, #tpu.memory_space<semaphore_mem>>) attributes {dimension_semantics = [#tpu.dimension_semantics<core_parallel>, #tpu.dimension_semantics<subcore_parallel>], iteration_bounds = array<i64: 2, 16>, scalar_prefetch = 0 : i64, scratch_operands = 12 : i64, tpu.core_type = #tpu.core_type<sc_vector_subcore>, window_params = [{transform_indices = #map}, {transform_indices = #map}, {transform_indices = #map}]} {
    %mul3A = arith.constant 2 : i32
    %mul3A_0 = arith.muli %arg1, %mul3A : i32
    %add3A = arith.addi %mul3A_0, %arg0 : i32
    %dma_start3A = arith.constant 0 : i32
    %dma_start3A_1 = arith.constant 0 : i32
    %dma_start3A_2 = tpu.memref_slice %arg4[%dma_start3A, %add3A, %dma_start3A_1] : memref<20x832x4096xf32, #tpu.memory_space<hbm>> -> memref<1x1x4096xf32, #tpu.memory_space<hbm>>
    %dma_start3A_3 = tpu.memref_squeeze %dma_start3A_2 : memref<1x1x4096xf32, #tpu.memory_space<hbm>> -> memref<4096xf32, #tpu.memory_space<hbm>>
    %dma_start3A_4 = arith.constant 0 : i32
    %dma_start3A_5 = tpu.memref_slice %arg4[%dma_start3A, %add3A, %dma_start3A_4] : memref<20x832x4096xf32, #tpu.memory_space<hbm>> -> memref<1x1x4096xf32, #tpu.memory_space<hbm>>
    %dma_start3A_6 = tpu.memref_squeeze %dma_start3A_5 : memref<1x1x4096xf32, #tpu.memory_space<hbm>> -> memref<4096xf32, #tpu.memory_space<hbm>>
    tpu.enqueue_dma source(%arg8 : memref<4096xf32, #tpu.memory_space<vmem>>) target(%dma_start3A_6 : memref<4096xf32, #tpu.memory_space<hbm>>) target_semaphore(%arg13 : memref<!tpu.dma_semaphore, #tpu.memory_space<semaphore_mem>>)
    %dma_start3A_7 = arith.constant 1 : i32
    %dma_start3A_8 = arith.constant 0 : i32
    %dma_start3A_9 = tpu.memref_slice %arg4[%dma_start3A_7, %add3A, %dma_start3A_8] : memref<20x832x4096xf32, #tpu.memory_space<hbm>> -> memref<1x1x4096xf32, #tpu.memory_space<hbm>>
    %dma_start3A_10 = tpu.memref_squeeze %dma_start3A_9 : memref<1x1x4096xf32, #tpu.memory_space<hbm>> -> memref<4096xf32, #tpu.memory_space<hbm>>
    %dma_start3A_11 = arith.constant 0 : i32
    %dma_start3A_12 = tpu.memref_slice %arg4[%dma_start3A_7, %add3A, %dma_start3A_11] : memref<20x832x4096xf32, #tpu.memory_space<hbm>> -> memref<1x1x4096xf32, #tpu.memory_space<hbm>>
    %dma_start3A_13 = tpu.memref_squeeze %dma_start3A_12 : memref<1x1x4096xf32, #tpu.memory_space<hbm>> -> memref<4096xf32, #tpu.memory_space<hbm>>
    tpu.enqueue_dma source(%arg9 : memref<4096xf32, #tpu.memory_space<vmem>>) target(%dma_start3A_13 : memref<4096xf32, #tpu.memory_space<hbm>>) target_semaphore(%arg14 : memref<!tpu.dma_semaphore, #tpu.memory_space<semaphore_mem>>)
    %eq3A = arith.constant 0 : i32
    %eq3A_14 = arith.cmpi eq, %arg1, %eq3A : i32
    %convert_element_type3A = arith.extui %eq3A_14 : i1 to i32
    %cond3A = arith.constant 0 : i32
    %cond3A_15 = arith.cmpi ne, %convert_element_type3A, %cond3A : i32
    scf.if %cond3A_15 {
      %dma_start3A_34 = arith.constant 0 : i32
      %dma_start3A_35 = arith.constant 0 : i32
      %dma_start3A_36 = arith.constant 0 : i32
      %dma_start3A_37 = arith.constant 0 : i32
      %dma_start3A_38 = arith.constant 0 : i32
      %dma_start3A_39 = tpu.memref_slice %arg10[%dma_start3A_36, %dma_start3A_37, %dma_start3A_38] : memref<2x24x4096xi32, #tpu.memory_space<vmem_shared>> -> memref<1x1x4096xi32, #tpu.memory_space<vmem_shared>>
      %dma_start3A_40 = tpu.memref_squeeze %dma_start3A_39 : memref<1x1x4096xi32, #tpu.memory_space<vmem_shared>> -> memref<4096xi32, #tpu.memory_space<vmem_shared>>
      %dma_start3A_41 = arith.constant 0 : i32
      %dma_start3A_42 = tpu.memref_slice %arg3[%dma_start3A_34, %dma_start3A_35, %dma_start3A_41] : memref<26x20x4096xi32, #tpu.memory_space<hbm>> -> memref<1x1x4096xi32, #tpu.memory_space<hbm>>
      %dma_start3A_43 = tpu.memref_squeeze %dma_start3A_42 : memref<1x1x4096xi32, #tpu.memory_space<hbm>> -> memref<4096xi32, #tpu.memory_space<hbm>>
      tpu.enqueue_dma source(%dma_start3A_43 : memref<4096xi32, #tpu.memory_space<hbm>>) target(%dma_start3A_40 : memref<4096xi32, #tpu.memory_space<vmem_shared>>) target_semaphore(%arg15 : memref<!tpu.dma_semaphore, #tpu.memory_space<semaphore_mem>>)
      %dma_start3A_44 = arith.constant 0 : i32
      %dma_start3A_45 = arith.constant 1 : i32
      %dma_start3A_46 = arith.constant 0 : i32
      %dma_start3A_47 = arith.constant 1 : i32
      %dma_start3A_48 = arith.constant 0 : i32
      %dma_start3A_49 = tpu.memref_slice %arg10[%dma_start3A_46, %dma_start3A_47, %dma_start3A_48] : memref<2x24x4096xi32, #tpu.memory_space<vmem_shared>> -> memref<1x1x4096xi32, #tpu.memory_space<vmem_shared>>
      %dma_start3A_50 = tpu.memref_squeeze %dma_start3A_49 : memref<1x1x4096xi32, #tpu.memory_space<vmem_shared>> -> memref<4096xi32, #tpu.memory_space<vmem_shared>>
      %dma_start3A_51 = arith.constant 0 : i32
      %dma_start3A_52 = tpu.memref_slice %arg3[%dma_start3A_44, %dma_start3A_45, %dma_start3A_51] : memref<26x20x4096xi32, #tpu.memory_space<hbm>> -> memref<1x1x4096xi32, #tpu.memory_space<hbm>>
      %dma_start3A_53 = tpu.memref_squeeze %dma_start3A_52 : memref<1x1x4096xi32, #tpu.memory_space<hbm>> -> memref<4096xi32, #tpu.memory_space<hbm>>
      tpu.enqueue_dma source(%dma_start3A_53 : memref<4096xi32, #tpu.memory_space<hbm>>) target(%dma_start3A_50 : memref<4096xi32, #tpu.memory_space<vmem_shared>>) target_semaphore(%arg15 : memref<!tpu.dma_semaphore, #tpu.memory_space<semaphore_mem>>)
      %dma_start3A_54 = arith.constant 0 : i32
      %dma_start3A_55 = arith.constant 2 : i32
      %dma_start3A_56 = arith.constant 0 : i32
      %dma_start3A_57 = arith.constant 2 : i32
      %dma_start3A_58 = arith.constant 0 : i32
      %dma_start3A_59 = tpu.memref_slice %arg10[%dma_start3A_56, %dma_start3A_57, %dma_start3A_58] : memref<2x24x4096xi32, #tpu.memory_space<vmem_shared>> -> memref<1x1x4096xi32, #tpu.memory_space<vmem_shared>>
      %dma_start3A_60 = tpu.memref_squeeze %dma_start3A_59 : memref<1x1x4096xi32, #tpu.memory_space<vmem_shared>> -> memref<4096xi32, #tpu.memory_space<vmem_shared>>
      %dma_start3A_61 = arith.constant 0 : i32
      %dma_start3A_62 = tpu.memref_slice %arg3[%dma_start3A_54, %dma_start3A_55, %dma_start3A_61] : memref<26x20x4096xi32, #tpu.memory_space<hbm>> -> memref<1x1x4096xi32, #tpu.memory_space<hbm>>
      %dma_start3A_63 = tpu.memref_squeeze %dma_start3A_62 : memref<1x1x4096xi32, #tpu.memory_space<hbm>> -> memref<4096xi32, #tpu.memory_space<hbm>>
      tpu.enqueue_dma source(%dma_start3A_63 : memref<4096xi32, #tpu.memory_space<hbm>>) target(%dma_start3A_60 : memref<4096xi32, #tpu.memory_space<vmem_shared>>) target_semaphore(%arg15 : memref<!tpu.dma_semaphore, #tpu.memory_space<semaphore_mem>>)
      %dma_start3A_64 = arith.constant 0 : i32
      %dma_start3A_65 = arith.constant 3 : i32
      %dma_start3A_66 = arith.constant 0 : i32
      %dma_start3A_67 = arith.constant 3 : i32
      %dma_start3A_68 = arith.constant 0 : i32
      %dma_start3A_69 = tpu.memref_slice %arg10[%dma_start3A_66, %dma_start3A_67, %dma_start3A_68] : memref<2x24x4096xi32, #tpu.memory_space<vmem_shared>> -> memref<1x1x4096xi32, #tpu.memory_space<vmem_shared>>
      %dma_start3A_70 = tpu.memref_squeeze %dma_start3A_69 : memref<1x1x4096xi32, #tpu.memory_space<vmem_shared>> -> memref<4096xi32, #tpu.memory_space<vmem_shared>>
      %dma_start3A_71 = arith.constant 0 : i32
      %dma_start3A_72 = tpu.memref_slice %arg3[%dma_start3A_64, %dma_start3A_65, %dma_start3A_71] : memref<26x20x4096xi32, #tpu.memory_space<hbm>> -> memref<1x1x4096xi32, #tpu.memory_space<hbm>>
      %dma_start3A_73 = tpu.memref_squeeze %dma_start3A_72 : memref<1x1x4096xi32, #tpu.memory_space<hbm>> -> memref<4096xi32, #tpu.memory_space<hbm>>
      tpu.enqueue_dma source(%dma_start3A_73 : memref<4096xi32, #tpu.memory_space<hbm>>) target(%dma_start3A_70 : memref<4096xi32, #tpu.memory_space<vmem_shared>>) target_semaphore(%arg15 : memref<!tpu.dma_semaphore, #tpu.memory_space<semaphore_mem>>)
      %dma_start3A_74 = arith.constant 0 : i32
      %dma_start3A_75 = arith.constant 4 : i32
      %dma_start3A_76 = arith.constant 0 : i32
      %dma_start3A_77 = arith.constant 4 : i32
      %dma_start3A_78 = arith.constant 0 : i32
      %dma_start3A_79 = tpu.memref_slice %arg10[%dma_start3A_76, %dma_start3A_77, %dma_start3A_78] : memref<2x24x4096xi32, #tpu.memory_space<vmem_shared>> -> memref<1x1x4096xi32, #tpu.memory_space<vmem_shared>>
      %dma_start3A_80 = tpu.memref_squeeze %dma_start3A_79 : memref<1x1x4096xi32, #tpu.memory_space<vmem_shared>> -> memref<4096xi32, #tpu.memory_space<vmem_shared>>
      %dma_start3A_81 = arith.constant 0 : i32
      %dma_start3A_82 = tpu.memref_slice %arg3[%dma_start3A_74, %dma_start3A_75, %dma_start3A_81] : memref<26x20x4096xi32, #tpu.memory_space<hbm>> -> memref<1x1x4096xi32, #tpu.memory_space<hbm>>
      %dma_start3A_83 = tpu.memref_squeeze %dma_start3A_82 : memref<1x1x4096xi32, #tpu.memory_space<hbm>> -> memref<4096xi32, #tpu.memory_space<hbm>>
      tpu.enqueue_dma source(%dma_start3A_83 : memref<4096xi32, #tpu.memory_space<hbm>>) target(%dma_start3A_80 : memref<4096xi32, #tpu.memory_space<vmem_shared>>) target_semaphore(%arg15 : memref<!tpu.dma_semaphore, #tpu.memory_space<semaphore_mem>>)
      %dma_start3A_84 = arith.constant 0 : i32
      %dma_start3A_85 = arith.constant 5 : i32
      %dma_start3A_86 = arith.constant 0 : i32
      %dma_start3A_87 = arith.constant 5 : i32
      %dma_start3A_88 = arith.constant 0 : i32
      %dma_start3A_89 = tpu.memref_slice %arg10[%dma_start3A_86, %dma_start3A_87, %dma_start3A_88] : memref<2x24x4096xi32, #tpu.memory_space<vmem_shared>> -> memref<1x1x4096xi32, #tpu.memory_space<vmem_shared>>
      %dma_start3A_90 = tpu.memref_squeeze %dma_start3A_89 : memref<1x1x4096xi32, #tpu.memory_space<vmem_shared>> -> memref<4096xi32, #tpu.memory_space<vmem_shared>>
      %dma_start3A_91 = arith.constant 0 : i32
      %dma_start3A_92 = tpu.memref_slice %arg3[%dma_start3A_84, %dma_start3A_85, %dma_start3A_91] : memref<26x20x4096xi32, #tpu.memory_space<hbm>> -> memref<1x1x4096xi32, #tpu.memory_space<hbm>>
      %dma_start3A_93 = tpu.memref_squeeze %dma_start3A_92 : memref<1x1x4096xi32, #tpu.memory_space<hbm>> -> memref<4096xi32, #tpu.memory_space<hbm>>
      tpu.enqueue_dma source(%dma_start3A_93 : memref<4096xi32, #tpu.memory_space<hbm>>) target(%dma_start3A_90 : memref<4096xi32, #tpu.memory_space<vmem_shared>>) target_semaphore(%arg15 : memref<!tpu.dma_semaphore, #tpu.memory_space<semaphore_mem>>)
      %dma_start3A_94 = arith.constant 0 : i32
      %dma_start3A_95 = arith.constant 6 : i32
      %dma_start3A_96 = arith.constant 0 : i32
      %dma_start3A_97 = arith.constant 6 : i32
      %dma_start3A_98 = arith.constant 0 : i32
      %dma_start3A_99 = tpu.memref_slice %arg10[%dma_start3A_96, %dma_start3A_97, %dma_start3A_98] : memref<2x24x4096xi32, #tpu.memory_space<vmem_shared>> -> memref<1x1x4096xi32, #tpu.memory_space<vmem_shared>>
      %dma_start3A_100 = tpu.memref_squeeze %dma_start3A_99 : memref<1x1x4096xi32, #tpu.memory_space<vmem_shared>> -> memref<4096xi32, #tpu.memory_space<vmem_shared>>
      %dma_start3A_101 = arith.constant 0 : i32
      %dma_start3A_102 = tpu.memref_slice %arg3[%dma_start3A_94, %dma_start3A_95, %dma_start3A_101] : memref<26x20x4096xi32, #tpu.memory_space<hbm>> -> memref<1x1x4096xi32, #tpu.memory_space<hbm>>
      %dma_start3A_103 = tpu.memref_squeeze %dma_start3A_102 : memref<1x1x4096xi32, #tpu.memory_space<hbm>> -> memref<4096xi32, #tpu.memory_space<hbm>>
      tpu.enqueue_dma source(%dma_start3A_103 : memref<4096xi32, #tpu.memory_space<hbm>>) target(%dma_start3A_100 : memref<4096xi32, #tpu.memory_space<vmem_shared>>) target_semaphore(%arg15 : memref<!tpu.dma_semaphore, #tpu.memory_space<semaphore_mem>>)
      %dma_start3A_104 = arith.constant 0 : i32
      %dma_start3A_105 = arith.constant 7 : i32
      %dma_start3A_106 = arith.constant 0 : i32
      %dma_start3A_107 = arith.constant 7 : i32
      %dma_start3A_108 = arith.constant 0 : i32
      %dma_start3A_109 = tpu.memref_slice %arg10[%dma_start3A_106, %dma_start3A_107, %dma_start3A_108] : memref<2x24x4096xi32, #tpu.memory_space<vmem_shared>> -> memref<1x1x4096xi32, #tpu.memory_space<vmem_shared>>
      %dma_start3A_110 = tpu.memref_squeeze %dma_start3A_109 : memref<1x1x4096xi32, #tpu.memory_space<vmem_shared>> -> memref<4096xi32, #tpu.memory_space<vmem_shared>>
      %dma_start3A_111 = arith.constant 0 : i32
      %dma_start3A_112 = tpu.memref_slice %arg3[%dma_start3A_104, %dma_start3A_105, %dma_start3A_111] : memref<26x20x4096xi32, #tpu.memory_space<hbm>> -> memref<1x1x4096xi32, #tpu.memory_space<hbm>>
      %dma_start3A_113 = tpu.memref_squeeze %dma_start3A_112 : memref<1x1x4096xi32, #tpu.memory_space<hbm>> -> memref<4096xi32, #tpu.memory_space<hbm>>
      tpu.enqueue_dma source(%dma_start3A_113 : memref<4096xi32, #tpu.memory_space<hbm>>) target(%dma_start3A_110 : memref<4096xi32, #tpu.memory_space<vmem_shared>>) target_semaphore(%arg15 : memref<!tpu.dma_semaphore, #tpu.memory_space<semaphore_mem>>)
      %dma_start3A_114 = arith.constant 0 : i32
      %dma_start3A_115 = arith.constant 8 : i32
      %dma_start3A_116 = arith.constant 0 : i32
      %dma_start3A_117 = arith.constant 8 : i32
      %dma_start3A_118 = arith.constant 0 : i32
      %dma_start3A_119 = tpu.memref_slice %arg10[%dma_start3A_116, %dma_start3A_117, %dma_start3A_118] : memref<2x24x4096xi32, #tpu.memory_space<vmem_shared>> -> memref<1x1x4096xi32, #tpu.memory_space<vmem_shared>>
      %dma_start3A_120 = tpu.memref_squeeze %dma_start3A_119 : memref<1x1x4096xi32, #tpu.memory_space<vmem_shared>> -> memref<4096xi32, #tpu.memory_space<vmem_shared>>
      %dma_start3A_121 = arith.constant 0 : i32
      %dma_start3A_122 = tpu.memref_slice %arg3[%dma_start3A_114, %dma_start3A_115, %dma_start3A_121] : memref<26x20x4096xi32, #tpu.memory_space<hbm>> -> memref<1x1x4096xi32, #tpu.memory_space<hbm>>
      %dma_start3A_123 = tpu.memref_squeeze %dma_start3A_122 : memref<1x1x4096xi32, #tpu.memory_space<hbm>> -> memref<4096xi32, #tpu.memory_space<hbm>>
      tpu.enqueue_dma source(%dma_start3A_123 : memref<4096xi32, #tpu.memory_space<hbm>>) target(%dma_start3A_120 : memref<4096xi32, #tpu.memory_space<vmem_shared>>) target_semaphore(%arg15 : memref<!tpu.dma_semaphore, #tpu.memory_space<semaphore_mem>>)
      %dma_start3A_124 = arith.constant 0 : i32
      %dma_start3A_125 = arith.constant 9 : i32
      %dma_start3A_126 = arith.constant 0 : i32
      %dma_start3A_127 = arith.constant 9 : i32
      %dma_start3A_128 = arith.constant 0 : i32
      %dma_start3A_129 = tpu.memref_slice %arg10[%dma_start3A_126, %dma_start3A_127, %dma_start3A_128] : memref<2x24x4096xi32, #tpu.memory_space<vmem_shared>> -> memref<1x1x4096xi32, #tpu.memory_space<vmem_shared>>
      %dma_start3A_130 = tpu.memref_squeeze %dma_start3A_129 : memref<1x1x4096xi32, #tpu.memory_space<vmem_shared>> -> memref<4096xi32, #tpu.memory_space<vmem_shared>>
      %dma_start3A_131 = arith.constant 0 : i32
      %dma_start3A_132 = tpu.memref_slice %arg3[%dma_start3A_124, %dma_start3A_125, %dma_start3A_131] : memref<26x20x4096xi32, #tpu.memory_space<hbm>> -> memref<1x1x4096xi32, #tpu.memory_space<hbm>>
      %dma_start3A_133 = tpu.memref_squeeze %dma_start3A_132 : memref<1x1x4096xi32, #tpu.memory_space<hbm>> -> memref<4096xi32, #tpu.memory_space<hbm>>
      tpu.enqueue_dma source(%dma_start3A_133 : memref<4096xi32, #tpu.memory_space<hbm>>) target(%dma_start3A_130 : memref<4096xi32, #tpu.memory_space<vmem_shared>>) target_semaphore(%arg15 : memref<!tpu.dma_semaphore, #tpu.memory_space<semaphore_mem>>)
      %dma_start3A_134 = arith.constant 0 : i32
      %dma_start3A_135 = arith.constant 10 : i32
      %dma_start3A_136 = arith.constant 0 : i32
      %dma_start3A_137 = arith.constant 10 : i32
      %dma_start3A_138 = arith.constant 0 : i32
      %dma_start3A_139 = tpu.memref_slice %arg10[%dma_start3A_136, %dma_start3A_137, %dma_start3A_138] : memref<2x24x4096xi32, #tpu.memory_space<vmem_shared>> -> memref<1x1x4096xi32, #tpu.memory_space<vmem_shared>>
      %dma_start3A_140 = tpu.memref_squeeze %dma_start3A_139 : memref<1x1x4096xi32, #tpu.memory_space<vmem_shared>> -> memref<4096xi32, #tpu.memory_space<vmem_shared>>
      %dma_start3A_141 = arith.constant 0 : i32
      %dma_start3A_142 = tpu.memref_slice %arg3[%dma_start3A_134, %dma_start3A_135, %dma_start3A_141] : memref<26x20x4096xi32, #tpu.memory_space<hbm>> -> memref<1x1x4096xi32, #tpu.memory_space<hbm>>
      %dma_start3A_143 = tpu.memref_squeeze %dma_start3A_142 : memref<1x1x4096xi32, #tpu.memory_space<hbm>> -> memref<4096xi32, #tpu.memory_space<hbm>>
      tpu.enqueue_dma source(%dma_start3A_143 : memref<4096xi32, #tpu.memory_space<hbm>>) target(%dma_start3A_140 : memref<4096xi32, #tpu.memory_space<vmem_shared>>) target_semaphore(%arg15 : memref<!tpu.dma_semaphore, #tpu.memory_space<semaphore_mem>>)
      %dma_start3A_144 = arith.constant 0 : i32
      %dma_start3A_145 = arith.constant 11 : i32
      %dma_start3A_146 = arith.constant 0 : i32
      %dma_start3A_147 = arith.constant 11 : i32
      %dma_start3A_148 = arith.constant 0 : i32
      %dma_start3A_149 = tpu.memref_slice %arg10[%dma_start3A_146, %dma_start3A_147, %dma_start3A_148] : memref<2x24x4096xi32, #tpu.memory_space<vmem_shared>> -> memref<1x1x4096xi32, #tpu.memory_space<vmem_shared>>
      %dma_start3A_150 = tpu.memref_squeeze %dma_start3A_149 : memref<1x1x4096xi32, #tpu.memory_space<vmem_shared>> -> memref<4096xi32, #tpu.memory_space<vmem_shared>>
      %dma_start3A_151 = arith.constant 0 : i32
      %dma_start3A_152 = tpu.memref_slice %arg3[%dma_start3A_144, %dma_start3A_145, %dma_start3A_151] : memref<26x20x4096xi32, #tpu.memory_space<hbm>> -> memref<1x1x4096xi32, #tpu.memory_space<hbm>>
      %dma_start3A_153 = tpu.memref_squeeze %dma_start3A_152 : memref<1x1x4096xi32, #tpu.memory_space<hbm>> -> memref<4096xi32, #tpu.memory_space<hbm>>
      tpu.enqueue_dma source(%dma_start3A_153 : memref<4096xi32, #tpu.memory_space<hbm>>) target(%dma_start3A_150 : memref<4096xi32, #tpu.memory_space<vmem_shared>>) target_semaphore(%arg15 : memref<!tpu.dma_semaphore, #tpu.memory_space<semaphore_mem>>)
      %dma_start3A_154 = arith.constant 0 : i32
      %dma_start3A_155 = arith.constant 12 : i32
      %dma_start3A_156 = arith.constant 0 : i32
      %dma_start3A_157 = arith.constant 12 : i32
      %dma_start3A_158 = arith.constant 0 : i32
      %dma_start3A_159 = tpu.memref_slice %arg10[%dma_start3A_156, %dma_start3A_157, %dma_start3A_158] : memref<2x24x4096xi32, #tpu.memory_space<vmem_shared>> -> memref<1x1x4096xi32, #tpu.memory_space<vmem_shared>>
      %dma_start3A_160 = tpu.memref_squeeze %dma_start3A_159 : memref<1x1x4096xi32, #tpu.memory_space<vmem_shared>> -> memref<4096xi32, #tpu.memory_space<vmem_shared>>
      %dma_start3A_161 = arith.constant 0 : i32
      %dma_start3A_162 = tpu.memref_slice %arg3[%dma_start3A_154, %dma_start3A_155, %dma_start3A_161] : memref<26x20x4096xi32, #tpu.memory_space<hbm>> -> memref<1x1x4096xi32, #tpu.memory_space<hbm>>
      %dma_start3A_163 = tpu.memref_squeeze %dma_start3A_162 : memref<1x1x4096xi32, #tpu.memory_space<hbm>> -> memref<4096xi32, #tpu.memory_space<hbm>>
      tpu.enqueue_dma source(%dma_start3A_163 : memref<4096xi32, #tpu.memory_space<hbm>>) target(%dma_start3A_160 : memref<4096xi32, #tpu.memory_space<vmem_shared>>) target_semaphore(%arg15 : memref<!tpu.dma_semaphore, #tpu.memory_space<semaphore_mem>>)
      %dma_start3A_164 = arith.constant 0 : i32
      %dma_start3A_165 = arith.constant 13 : i32
      %dma_start3A_166 = arith.constant 0 : i32
      %dma_start3A_167 = arith.constant 13 : i32
      %dma_start3A_168 = arith.constant 0 : i32
      %dma_start3A_169 = tpu.memref_slice %arg10[%dma_start3A_166, %dma_start3A_167, %dma_start3A_168] : memref<2x24x4096xi32, #tpu.memory_space<vmem_shared>> -> memref<1x1x4096xi32, #tpu.memory_space<vmem_shared>>
      %dma_start3A_170 = tpu.memref_squeeze %dma_start3A_169 : memref<1x1x4096xi32, #tpu.memory_space<vmem_shared>> -> memref<4096xi32, #tpu.memory_space<vmem_shared>>
      %dma_start3A_171 = arith.constant 0 : i32
      %dma_start3A_172 = tpu.memref_slice %arg3[%dma_start3A_164, %dma_start3A_165, %dma_start3A_171] : memref<26x20x4096xi32, #tpu.memory_space<hbm>> -> memref<1x1x4096xi32, #tpu.memory_space<hbm>>
      %dma_start3A_173 = tpu.memref_squeeze %dma_start3A_172 : memref<1x1x4096xi32, #tpu.memory_space<hbm>> -> memref<4096xi32, #tpu.memory_space<hbm>>
      tpu.enqueue_dma source(%dma_start3A_173 : memref<4096xi32, #tpu.memory_space<hbm>>) target(%dma_start3A_170 : memref<4096xi32, #tpu.memory_space<vmem_shared>>) target_semaphore(%arg15 : memref<!tpu.dma_semaphore, #tpu.memory_space<semaphore_mem>>)
      %dma_start3A_174 = arith.constant 0 : i32
      %dma_start3A_175 = arith.constant 14 : i32
      %dma_start3A_176 = arith.constant 0 : i32
      %dma_start3A_177 = arith.constant 14 : i32
      %dma_start3A_178 = arith.constant 0 : i32
      %dma_start3A_179 = tpu.memref_slice %arg10[%dma_start3A_176, %dma_start3A_177, %dma_start3A_178] : memref<2x24x4096xi32, #tpu.memory_space<vmem_shared>> -> memref<1x1x4096xi32, #tpu.memory_space<vmem_shared>>
      %dma_start3A_180 = tpu.memref_squeeze %dma_start3A_179 : memref<1x1x4096xi32, #tpu.memory_space<vmem_shared>> -> memref<4096xi32, #tpu.memory_space<vmem_shared>>
      %dma_start3A_181 = arith.constant 0 : i32
      %dma_start3A_182 = tpu.memref_slice %arg3[%dma_start3A_174, %dma_start3A_175, %dma_start3A_181] : memref<26x20x4096xi32, #tpu.memory_space<hbm>> -> memref<1x1x4096xi32, #tpu.memory_space<hbm>>
      %dma_start3A_183 = tpu.memref_squeeze %dma_start3A_182 : memref<1x1x4096xi32, #tpu.memory_space<hbm>> -> memref<4096xi32, #tpu.memory_space<hbm>>
      tpu.enqueue_dma source(%dma_start3A_183 : memref<4096xi32, #tpu.memory_space<hbm>>) target(%dma_start3A_180 : memref<4096xi32, #tpu.memory_space<vmem_shared>>) target_semaphore(%arg15 : memref<!tpu.dma_semaphore, #tpu.memory_space<semaphore_mem>>)
      %dma_start3A_184 = arith.constant 0 : i32
      %dma_start3A_185 = arith.constant 15 : i32
      %dma_start3A_186 = arith.constant 0 : i32
      %dma_start3A_187 = arith.constant 15 : i32
      %dma_start3A_188 = arith.constant 0 : i32
      %dma_start3A_189 = tpu.memref_slice %arg10[%dma_start3A_186, %dma_start3A_187, %dma_start3A_188] : memref<2x24x4096xi32, #tpu.memory_space<vmem_shared>> -> memref<1x1x4096xi32, #tpu.memory_space<vmem_shared>>
      %dma_start3A_190 = tpu.memref_squeeze %dma_start3A_189 : memref<1x1x4096xi32, #tpu.memory_space<vmem_shared>> -> memref<4096xi32, #tpu.memory_space<vmem_shared>>
      %dma_start3A_191 = arith.constant 0 : i32
      %dma_start3A_192 = tpu.memref_slice %arg3[%dma_start3A_184, %dma_start3A_185, %dma_start3A_191] : memref<26x20x4096xi32, #tpu.memory_space<hbm>> -> memref<1x1x4096xi32, #tpu.memory_space<hbm>>
      %dma_start3A_193 = tpu.memref_squeeze %dma_start3A_192 : memref<1x1x4096xi32, #tpu.memory_space<hbm>> -> memref<4096xi32, #tpu.memory_space<hbm>>
      tpu.enqueue_dma source(%dma_start3A_193 : memref<4096xi32, #tpu.memory_space<hbm>>) target(%dma_start3A_190 : memref<4096xi32, #tpu.memory_space<vmem_shared>>) target_semaphore(%arg15 : memref<!tpu.dma_semaphore, #tpu.memory_space<semaphore_mem>>)
      %dma_start3A_194 = arith.constant 0 : i32
      %dma_start3A_195 = arith.constant 16 : i32
      %dma_start3A_196 = arith.constant 0 : i32
      %dma_start3A_197 = arith.constant 16 : i32
      %dma_start3A_198 = arith.constant 0 : i32
      %dma_start3A_199 = tpu.memref_slice %arg10[%dma_start3A_196, %dma_start3A_197, %dma_start3A_198] : memref<2x24x4096xi32, #tpu.memory_space<vmem_shared>> -> memref<1x1x4096xi32, #tpu.memory_space<vmem_shared>>
      %dma_start3A_200 = tpu.memref_squeeze %dma_start3A_199 : memref<1x1x4096xi32, #tpu.memory_space<vmem_shared>> -> memref<4096xi32, #tpu.memory_space<vmem_shared>>
      %dma_start3A_201 = arith.constant 0 : i32
      %dma_start3A_202 = tpu.memref_slice %arg3[%dma_start3A_194, %dma_start3A_195, %dma_start3A_201] : memref<26x20x4096xi32, #tpu.memory_space<hbm>> -> memref<1x1x4096xi32, #tpu.memory_space<hbm>>
      %dma_start3A_203 = tpu.memref_squeeze %dma_start3A_202 : memref<1x1x4096xi32, #tpu.memory_space<hbm>> -> memref<4096xi32, #tpu.memory_space<hbm>>
      tpu.enqueue_dma source(%dma_start3A_203 : memref<4096xi32, #tpu.memory_space<hbm>>) target(%dma_start3A_200 : memref<4096xi32, #tpu.memory_space<vmem_shared>>) target_semaphore(%arg15 : memref<!tpu.dma_semaphore, #tpu.memory_space<semaphore_mem>>)
      %dma_start3A_204 = arith.constant 0 : i32
      %dma_start3A_205 = arith.constant 17 : i32
      %dma_start3A_206 = arith.constant 0 : i32
      %dma_start3A_207 = arith.constant 17 : i32
      %dma_start3A_208 = arith.constant 0 : i32
      %dma_start3A_209 = tpu.memref_slice %arg10[%dma_start3A_206, %dma_start3A_207, %dma_start3A_208] : memref<2x24x4096xi32, #tpu.memory_space<vmem_shared>> -> memref<1x1x4096xi32, #tpu.memory_space<vmem_shared>>
      %dma_start3A_210 = tpu.memref_squeeze %dma_start3A_209 : memref<1x1x4096xi32, #tpu.memory_space<vmem_shared>> -> memref<4096xi32, #tpu.memory_space<vmem_shared>>
      %dma_start3A_211 = arith.constant 0 : i32
      %dma_start3A_212 = tpu.memref_slice %arg3[%dma_start3A_204, %dma_start3A_205, %dma_start3A_211] : memref<26x20x4096xi32, #tpu.memory_space<hbm>> -> memref<1x1x4096xi32, #tpu.memory_space<hbm>>
      %dma_start3A_213 = tpu.memref_squeeze %dma_start3A_212 : memref<1x1x4096xi32, #tpu.memory_space<hbm>> -> memref<4096xi32, #tpu.memory_space<hbm>>
      tpu.enqueue_dma source(%dma_start3A_213 : memref<4096xi32, #tpu.memory_space<hbm>>) target(%dma_start3A_210 : memref<4096xi32, #tpu.memory_space<vmem_shared>>) target_semaphore(%arg15 : memref<!tpu.dma_semaphore, #tpu.memory_space<semaphore_mem>>)
      %dma_start3A_214 = arith.constant 0 : i32
      %dma_start3A_215 = arith.constant 18 : i32
      %dma_start3A_216 = arith.constant 0 : i32
      %dma_start3A_217 = arith.constant 18 : i32
      %dma_start3A_218 = arith.constant 0 : i32
      %dma_start3A_219 = tpu.memref_slice %arg10[%dma_start3A_216, %dma_start3A_217, %dma_start3A_218] : memref<2x24x4096xi32, #tpu.memory_space<vmem_shared>> -> memref<1x1x4096xi32, #tpu.memory_space<vmem_shared>>
      %dma_start3A_220 = tpu.memref_squeeze %dma_start3A_219 : memref<1x1x4096xi32, #tpu.memory_space<vmem_shared>> -> memref<4096xi32, #tpu.memory_space<vmem_shared>>
      %dma_start3A_221 = arith.constant 0 : i32
      %dma_start3A_222 = tpu.memref_slice %arg3[%dma_start3A_214, %dma_start3A_215, %dma_start3A_221] : memref<26x20x4096xi32, #tpu.memory_space<hbm>> -> memref<1x1x4096xi32, #tpu.memory_space<hbm>>
      %dma_start3A_223 = tpu.memref_squeeze %dma_start3A_222 : memref<1x1x4096xi32, #tpu.memory_space<hbm>> -> memref<4096xi32, #tpu.memory_space<hbm>>
      tpu.enqueue_dma source(%dma_start3A_223 : memref<4096xi32, #tpu.memory_space<hbm>>) target(%dma_start3A_220 : memref<4096xi32, #tpu.memory_space<vmem_shared>>) target_semaphore(%arg15 : memref<!tpu.dma_semaphore, #tpu.memory_space<semaphore_mem>>)
      %dma_start3A_224 = arith.constant 0 : i32
      %dma_start3A_225 = arith.constant 19 : i32
      %dma_start3A_226 = arith.constant 0 : i32
      %dma_start3A_227 = arith.constant 19 : i32
      %dma_start3A_228 = arith.constant 0 : i32
      %dma_start3A_229 = tpu.memref_slice %arg10[%dma_start3A_226, %dma_start3A_227, %dma_start3A_228] : memref<2x24x4096xi32, #tpu.memory_space<vmem_shared>> -> memref<1x1x4096xi32, #tpu.memory_space<vmem_shared>>
      %dma_start3A_230 = tpu.memref_squeeze %dma_start3A_229 : memref<1x1x4096xi32, #tpu.memory_space<vmem_shared>> -> memref<4096xi32, #tpu.memory_space<vmem_shared>>
      %dma_start3A_231 = arith.constant 0 : i32
      %dma_start3A_232 = tpu.memref_slice %arg3[%dma_start3A_224, %dma_start3A_225, %dma_start3A_231] : memref<26x20x4096xi32, #tpu.memory_space<hbm>> -> memref<1x1x4096xi32, #tpu.memory_space<hbm>>
      %dma_start3A_233 = tpu.memref_squeeze %dma_start3A_232 : memref<1x1x4096xi32, #tpu.memory_space<hbm>> -> memref<4096xi32, #tpu.memory_space<hbm>>
      tpu.enqueue_dma source(%dma_start3A_233 : memref<4096xi32, #tpu.memory_space<hbm>>) target(%dma_start3A_230 : memref<4096xi32, #tpu.memory_space<vmem_shared>>) target_semaphore(%arg15 : memref<!tpu.dma_semaphore, #tpu.memory_space<semaphore_mem>>)
    } else {
    }
    %scan3A = arith.constant 0 : i32
    %scan3A_16 = arith.constant 0 : i32
    %scan3A_17 = arith.constant 26 : i32
    %scan3A_18 = arith.addi %scan3A_16, %scan3A_17 : i32
    %scan3A_19 = arith.constant 1 : i32
    scf.for %scan3A_34 = %scan3A_16 to %scan3A_18 step %scan3A_19  : i32 {
      %jit3A = arith.constant 2 : i32
      %eq3A_35 = arith.constant 0 : i32
      %eq3A_36 = arith.cmpi eq, %jit3A, %eq3A_35 : i32
      %jit3A_37 = arith.constant 1 : i32
      %select_n3A = arith.select %eq3A_36, %jit3A_37, %jit3A : i32
      %rem3A = arith.remsi %scan3A_34, %select_n3A : i32
      %ne3A = arith.constant 0 : i32
      %ne3A_38 = arith.cmpi ne, %rem3A, %ne3A : i32
      %lt3A = arith.constant 0 : i32
      %lt3A_39 = arith.cmpi slt, %rem3A, %lt3A : i32
      %lt3A_40 = arith.constant 0 : i32
      %lt3A_41 = arith.cmpi slt, %select_n3A, %lt3A_40 : i32
      %ne3A_42 = arith.xori %lt3A_39, %lt3A_41 : i1
      %and3A = arith.andi %ne3A_42, %ne3A_38 : i1
      %add3A_43 = arith.addi %rem3A, %select_n3A : i32
      %select_n3A_44 = arith.select %and3A, %add3A_43, %rem3A : i32
      %dma_start3A_45 = arith.constant 0 : i32
      %dma_start3A_46 = tpu.memref_slice %arg2[%scan3A_34, %add3A, %dma_start3A_45] : memref<26x32x100000xf32, #tpu.memory_space<hbm>> -> memref<1x1x100000xf32, #tpu.memory_space<hbm>>
      %dma_start3A_47 = tpu.memref_squeeze %dma_start3A_46 : memref<1x1x100000xf32, #tpu.memory_space<hbm>> -> memref<100000xf32, #tpu.memory_space<hbm>>
      %dma_start3A_48 = arith.constant 0 : i32
      %dma_start3A_49 = tpu.memref_slice %arg2[%scan3A_34, %add3A, %dma_start3A_48] : memref<26x32x100000xf32, #tpu.memory_space<hbm>> -> memref<1x1x100000xf32, #tpu.memory_space<hbm>>
      %dma_start3A_50 = tpu.memref_squeeze %dma_start3A_49 : memref<1x1x100000xf32, #tpu.memory_space<hbm>> -> memref<100000xf32, #tpu.memory_space<hbm>>
      tpu.enqueue_dma source(%dma_start3A_50 : memref<100000xf32, #tpu.memory_space<hbm>>) target(%arg5 : memref<100000xf32, #tpu.memory_space<vmem>>) target_semaphore(%arg16 : memref<!tpu.dma_semaphore, #tpu.memory_space<semaphore_mem>>)
      %eq3A_51 = arith.constant 0 : i32
      %eq3A_52 = arith.cmpi eq, %arg1, %eq3A_51 : i32
      %convert_element_type3A_53 = arith.extui %eq3A_52 : i1 to i32
      %cond3A_54 = arith.constant 0 : i32
      %cond3A_55 = arith.cmpi ne, %convert_element_type3A_53, %cond3A_54 : i32
      scf.if %cond3A_55 {
        %dma_wait3A_92 = arith.constant 0 : i32
        %dma_wait3A_93 = arith.constant 0 : i32
        %dma_wait3A_94 = arith.constant 0 : i32
        %dma_wait3A_95 = tpu.memref_slice %arg10[%select_n3A_44, %dma_wait3A_93, %dma_wait3A_94] : memref<2x24x4096xi32, #tpu.memory_space<vmem_shared>> -> memref<1x1x4096xi32, #tpu.memory_space<vmem_shared>>
        %dma_wait3A_96 = tpu.memref_squeeze %dma_wait3A_95 : memref<1x1x4096xi32, #tpu.memory_space<vmem_shared>> -> memref<4096xi32, #tpu.memory_space<vmem_shared>>
        %dma_wait3A_97 = arith.constant 0 : i32
        %dma_wait3A_98 = tpu.memref_slice %arg3[%scan3A_34, %dma_wait3A_92, %dma_wait3A_97] : memref<26x20x4096xi32, #tpu.memory_space<hbm>> -> memref<1x1x4096xi32, #tpu.memory_space<hbm>>
        %dma_wait3A_99 = tpu.memref_squeeze %dma_wait3A_98 : memref<1x1x4096xi32, #tpu.memory_space<hbm>> -> memref<4096xi32, #tpu.memory_space<hbm>>
        tpu.wait_dma2 semaphore(%arg15 : memref<!tpu.dma_semaphore, #tpu.memory_space<semaphore_mem>>) src(%dma_wait3A_99 : memref<4096xi32, #tpu.memory_space<hbm>>) dst(%dma_wait3A_96 : memref<4096xi32, #tpu.memory_space<vmem_shared>>)
        %dma_wait3A_100 = arith.constant 1 : i32
        %dma_wait3A_101 = arith.constant 1 : i32
        %dma_wait3A_102 = arith.constant 0 : i32
        %dma_wait3A_103 = tpu.memref_slice %arg10[%select_n3A_44, %dma_wait3A_101, %dma_wait3A_102] : memref<2x24x4096xi32, #tpu.memory_space<vmem_shared>> -> memref<1x1x4096xi32, #tpu.memory_space<vmem_shared>>
        %dma_wait3A_104 = tpu.memref_squeeze %dma_wait3A_103 : memref<1x1x4096xi32, #tpu.memory_space<vmem_shared>> -> memref<4096xi32, #tpu.memory_space<vmem_shared>>
        %dma_wait3A_105 = arith.constant 0 : i32
        %dma_wait3A_106 = tpu.memref_slice %arg3[%scan3A_34, %dma_wait3A_100, %dma_wait3A_105] : memref<26x20x4096xi32, #tpu.memory_space<hbm>> -> memref<1x1x4096xi32, #tpu.memory_space<hbm>>
        %dma_wait3A_107 = tpu.memref_squeeze %dma_wait3A_106 : memref<1x1x4096xi32, #tpu.memory_space<hbm>> -> memref<4096xi32, #tpu.memory_space<hbm>>
        tpu.wait_dma2 semaphore(%arg15 : memref<!tpu.dma_semaphore, #tpu.memory_space<semaphore_mem>>) src(%dma_wait3A_107 : memref<4096xi32, #tpu.memory_space<hbm>>) dst(%dma_wait3A_104 : memref<4096xi32, #tpu.memory_space<vmem_shared>>)
        %dma_wait3A_108 = arith.constant 2 : i32
        %dma_wait3A_109 = arith.constant 2 : i32
        %dma_wait3A_110 = arith.constant 0 : i32
        %dma_wait3A_111 = tpu.memref_slice %arg10[%select_n3A_44, %dma_wait3A_109, %dma_wait3A_110] : memref<2x24x4096xi32, #tpu.memory_space<vmem_shared>> -> memref<1x1x4096xi32, #tpu.memory_space<vmem_shared>>
        %dma_wait3A_112 = tpu.memref_squeeze %dma_wait3A_111 : memref<1x1x4096xi32, #tpu.memory_space<vmem_shared>> -> memref<4096xi32, #tpu.memory_space<vmem_shared>>
        %dma_wait3A_113 = arith.constant 0 : i32
        %dma_wait3A_114 = tpu.memref_slice %arg3[%scan3A_34, %dma_wait3A_108, %dma_wait3A_113] : memref<26x20x4096xi32, #tpu.memory_space<hbm>> -> memref<1x1x4096xi32, #tpu.memory_space<hbm>>
        %dma_wait3A_115 = tpu.memref_squeeze %dma_wait3A_114 : memref<1x1x4096xi32, #tpu.memory_space<hbm>> -> memref<4096xi32, #tpu.memory_space<hbm>>
        tpu.wait_dma2 semaphore(%arg15 : memref<!tpu.dma_semaphore, #tpu.memory_space<semaphore_mem>>) src(%dma_wait3A_115 : memref<4096xi32, #tpu.memory_space<hbm>>) dst(%dma_wait3A_112 : memref<4096xi32, #tpu.memory_space<vmem_shared>>)
        %dma_wait3A_116 = arith.constant 3 : i32
        %dma_wait3A_117 = arith.constant 3 : i32
        %dma_wait3A_118 = arith.constant 0 : i32
        %dma_wait3A_119 = tpu.memref_slice %arg10[%select_n3A_44, %dma_wait3A_117, %dma_wait3A_118] : memref<2x24x4096xi32, #tpu.memory_space<vmem_shared>> -> memref<1x1x4096xi32, #tpu.memory_space<vmem_shared>>
        %dma_wait3A_120 = tpu.memref_squeeze %dma_wait3A_119 : memref<1x1x4096xi32, #tpu.memory_space<vmem_shared>> -> memref<4096xi32, #tpu.memory_space<vmem_shared>>
        %dma_wait3A_121 = arith.constant 0 : i32
        %dma_wait3A_122 = tpu.memref_slice %arg3[%scan3A_34, %dma_wait3A_116, %dma_wait3A_121] : memref<26x20x4096xi32, #tpu.memory_space<hbm>> -> memref<1x1x4096xi32, #tpu.memory_space<hbm>>
        %dma_wait3A_123 = tpu.memref_squeeze %dma_wait3A_122 : memref<1x1x4096xi32, #tpu.memory_space<hbm>> -> memref<4096xi32, #tpu.memory_space<hbm>>
        tpu.wait_dma2 semaphore(%arg15 : memref<!tpu.dma_semaphore, #tpu.memory_space<semaphore_mem>>) src(%dma_wait3A_123 : memref<4096xi32, #tpu.memory_space<hbm>>) dst(%dma_wait3A_120 : memref<4096xi32, #tpu.memory_space<vmem_shared>>)
        %dma_wait3A_124 = arith.constant 4 : i32
        %dma_wait3A_125 = arith.constant 4 : i32
        %dma_wait3A_126 = arith.constant 0 : i32
        %dma_wait3A_127 = tpu.memref_slice %arg10[%select_n3A_44, %dma_wait3A_125, %dma_wait3A_126] : memref<2x24x4096xi32, #tpu.memory_space<vmem_shared>> -> memref<1x1x4096xi32, #tpu.memory_space<vmem_shared>>
        %dma_wait3A_128 = tpu.memref_squeeze %dma_wait3A_127 : memref<1x1x4096xi32, #tpu.memory_space<vmem_shared>> -> memref<4096xi32, #tpu.memory_space<vmem_shared>>
        %dma_wait3A_129 = arith.constant 0 : i32
        %dma_wait3A_130 = tpu.memref_slice %arg3[%scan3A_34, %dma_wait3A_124, %dma_wait3A_129] : memref<26x20x4096xi32, #tpu.memory_space<hbm>> -> memref<1x1x4096xi32, #tpu.memory_space<hbm>>
        %dma_wait3A_131 = tpu.memref_squeeze %dma_wait3A_130 : memref<1x1x4096xi32, #tpu.memory_space<hbm>> -> memref<4096xi32, #tpu.memory_space<hbm>>
        tpu.wait_dma2 semaphore(%arg15 : memref<!tpu.dma_semaphore, #tpu.memory_space<semaphore_mem>>) src(%dma_wait3A_131 : memref<4096xi32, #tpu.memory_space<hbm>>) dst(%dma_wait3A_128 : memref<4096xi32, #tpu.memory_space<vmem_shared>>)
        %dma_wait3A_132 = arith.constant 5 : i32
        %dma_wait3A_133 = arith.constant 5 : i32
        %dma_wait3A_134 = arith.constant 0 : i32
        %dma_wait3A_135 = tpu.memref_slice %arg10[%select_n3A_44, %dma_wait3A_133, %dma_wait3A_134] : memref<2x24x4096xi32, #tpu.memory_space<vmem_shared>> -> memref<1x1x4096xi32, #tpu.memory_space<vmem_shared>>
        %dma_wait3A_136 = tpu.memref_squeeze %dma_wait3A_135 : memref<1x1x4096xi32, #tpu.memory_space<vmem_shared>> -> memref<4096xi32, #tpu.memory_space<vmem_shared>>
        %dma_wait3A_137 = arith.constant 0 : i32
        %dma_wait3A_138 = tpu.memref_slice %arg3[%scan3A_34, %dma_wait3A_132, %dma_wait3A_137] : memref<26x20x4096xi32, #tpu.memory_space<hbm>> -> memref<1x1x4096xi32, #tpu.memory_space<hbm>>
        %dma_wait3A_139 = tpu.memref_squeeze %dma_wait3A_138 : memref<1x1x4096xi32, #tpu.memory_space<hbm>> -> memref<4096xi32, #tpu.memory_space<hbm>>
        tpu.wait_dma2 semaphore(%arg15 : memref<!tpu.dma_semaphore, #tpu.memory_space<semaphore_mem>>) src(%dma_wait3A_139 : memref<4096xi32, #tpu.memory_space<hbm>>) dst(%dma_wait3A_136 : memref<4096xi32, #tpu.memory_space<vmem_shared>>)
        %dma_wait3A_140 = arith.constant 6 : i32
        %dma_wait3A_141 = arith.constant 6 : i32
        %dma_wait3A_142 = arith.constant 0 : i32
        %dma_wait3A_143 = tpu.memref_slice %arg10[%select_n3A_44, %dma_wait3A_141, %dma_wait3A_142] : memref<2x24x4096xi32, #tpu.memory_space<vmem_shared>> -> memref<1x1x4096xi32, #tpu.memory_space<vmem_shared>>
        %dma_wait3A_144 = tpu.memref_squeeze %dma_wait3A_143 : memref<1x1x4096xi32, #tpu.memory_space<vmem_shared>> -> memref<4096xi32, #tpu.memory_space<vmem_shared>>
        %dma_wait3A_145 = arith.constant 0 : i32
        %dma_wait3A_146 = tpu.memref_slice %arg3[%scan3A_34, %dma_wait3A_140, %dma_wait3A_145] : memref<26x20x4096xi32, #tpu.memory_space<hbm>> -> memref<1x1x4096xi32, #tpu.memory_space<hbm>>
        %dma_wait3A_147 = tpu.memref_squeeze %dma_wait3A_146 : memref<1x1x4096xi32, #tpu.memory_space<hbm>> -> memref<4096xi32, #tpu.memory_space<hbm>>
        tpu.wait_dma2 semaphore(%arg15 : memref<!tpu.dma_semaphore, #tpu.memory_space<semaphore_mem>>) src(%dma_wait3A_147 : memref<4096xi32, #tpu.memory_space<hbm>>) dst(%dma_wait3A_144 : memref<4096xi32, #tpu.memory_space<vmem_shared>>)
        %dma_wait3A_148 = arith.constant 7 : i32
        %dma_wait3A_149 = arith.constant 7 : i32
        %dma_wait3A_150 = arith.constant 0 : i32
        %dma_wait3A_151 = tpu.memref_slice %arg10[%select_n3A_44, %dma_wait3A_149, %dma_wait3A_150] : memref<2x24x4096xi32, #tpu.memory_space<vmem_shared>> -> memref<1x1x4096xi32, #tpu.memory_space<vmem_shared>>
        %dma_wait3A_152 = tpu.memref_squeeze %dma_wait3A_151 : memref<1x1x4096xi32, #tpu.memory_space<vmem_shared>> -> memref<4096xi32, #tpu.memory_space<vmem_shared>>
        %dma_wait3A_153 = arith.constant 0 : i32
        %dma_wait3A_154 = tpu.memref_slice %arg3[%scan3A_34, %dma_wait3A_148, %dma_wait3A_153] : memref<26x20x4096xi32, #tpu.memory_space<hbm>> -> memref<1x1x4096xi32, #tpu.memory_space<hbm>>
        %dma_wait3A_155 = tpu.memref_squeeze %dma_wait3A_154 : memref<1x1x4096xi32, #tpu.memory_space<hbm>> -> memref<4096xi32, #tpu.memory_space<hbm>>
        tpu.wait_dma2 semaphore(%arg15 : memref<!tpu.dma_semaphore, #tpu.memory_space<semaphore_mem>>) src(%dma_wait3A_155 : memref<4096xi32, #tpu.memory_space<hbm>>) dst(%dma_wait3A_152 : memref<4096xi32, #tpu.memory_space<vmem_shared>>)
        %dma_wait3A_156 = arith.constant 8 : i32
        %dma_wait3A_157 = arith.constant 8 : i32
        %dma_wait3A_158 = arith.constant 0 : i32
        %dma_wait3A_159 = tpu.memref_slice %arg10[%select_n3A_44, %dma_wait3A_157, %dma_wait3A_158] : memref<2x24x4096xi32, #tpu.memory_space<vmem_shared>> -> memref<1x1x4096xi32, #tpu.memory_space<vmem_shared>>
        %dma_wait3A_160 = tpu.memref_squeeze %dma_wait3A_159 : memref<1x1x4096xi32, #tpu.memory_space<vmem_shared>> -> memref<4096xi32, #tpu.memory_space<vmem_shared>>
        %dma_wait3A_161 = arith.constant 0 : i32
        %dma_wait3A_162 = tpu.memref_slice %arg3[%scan3A_34, %dma_wait3A_156, %dma_wait3A_161] : memref<26x20x4096xi32, #tpu.memory_space<hbm>> -> memref<1x1x4096xi32, #tpu.memory_space<hbm>>
        %dma_wait3A_163 = tpu.memref_squeeze %dma_wait3A_162 : memref<1x1x4096xi32, #tpu.memory_space<hbm>> -> memref<4096xi32, #tpu.memory_space<hbm>>
        tpu.wait_dma2 semaphore(%arg15 : memref<!tpu.dma_semaphore, #tpu.memory_space<semaphore_mem>>) src(%dma_wait3A_163 : memref<4096xi32, #tpu.memory_space<hbm>>) dst(%dma_wait3A_160 : memref<4096xi32, #tpu.memory_space<vmem_shared>>)
        %dma_wait3A_164 = arith.constant 9 : i32
        %dma_wait3A_165 = arith.constant 9 : i32
        %dma_wait3A_166 = arith.constant 0 : i32
        %dma_wait3A_167 = tpu.memref_slice %arg10[%select_n3A_44, %dma_wait3A_165, %dma_wait3A_166] : memref<2x24x4096xi32, #tpu.memory_space<vmem_shared>> -> memref<1x1x4096xi32, #tpu.memory_space<vmem_shared>>
        %dma_wait3A_168 = tpu.memref_squeeze %dma_wait3A_167 : memref<1x1x4096xi32, #tpu.memory_space<vmem_shared>> -> memref<4096xi32, #tpu.memory_space<vmem_shared>>
        %dma_wait3A_169 = arith.constant 0 : i32
        %dma_wait3A_170 = tpu.memref_slice %arg3[%scan3A_34, %dma_wait3A_164, %dma_wait3A_169] : memref<26x20x4096xi32, #tpu.memory_space<hbm>> -> memref<1x1x4096xi32, #tpu.memory_space<hbm>>
        %dma_wait3A_171 = tpu.memref_squeeze %dma_wait3A_170 : memref<1x1x4096xi32, #tpu.memory_space<hbm>> -> memref<4096xi32, #tpu.memory_space<hbm>>
        tpu.wait_dma2 semaphore(%arg15 : memref<!tpu.dma_semaphore, #tpu.memory_space<semaphore_mem>>) src(%dma_wait3A_171 : memref<4096xi32, #tpu.memory_space<hbm>>) dst(%dma_wait3A_168 : memref<4096xi32, #tpu.memory_space<vmem_shared>>)
        %dma_wait3A_172 = arith.constant 10 : i32
        %dma_wait3A_173 = arith.constant 10 : i32
        %dma_wait3A_174 = arith.constant 0 : i32
        %dma_wait3A_175 = tpu.memref_slice %arg10[%select_n3A_44, %dma_wait3A_173, %dma_wait3A_174] : memref<2x24x4096xi32, #tpu.memory_space<vmem_shared>> -> memref<1x1x4096xi32, #tpu.memory_space<vmem_shared>>
        %dma_wait3A_176 = tpu.memref_squeeze %dma_wait3A_175 : memref<1x1x4096xi32, #tpu.memory_space<vmem_shared>> -> memref<4096xi32, #tpu.memory_space<vmem_shared>>
        %dma_wait3A_177 = arith.constant 0 : i32
        %dma_wait3A_178 = tpu.memref_slice %arg3[%scan3A_34, %dma_wait3A_172, %dma_wait3A_177] : memref<26x20x4096xi32, #tpu.memory_space<hbm>> -> memref<1x1x4096xi32, #tpu.memory_space<hbm>>
        %dma_wait3A_179 = tpu.memref_squeeze %dma_wait3A_178 : memref<1x1x4096xi32, #tpu.memory_space<hbm>> -> memref<4096xi32, #tpu.memory_space<hbm>>
        tpu.wait_dma2 semaphore(%arg15 : memref<!tpu.dma_semaphore, #tpu.memory_space<semaphore_mem>>) src(%dma_wait3A_179 : memref<4096xi32, #tpu.memory_space<hbm>>) dst(%dma_wait3A_176 : memref<4096xi32, #tpu.memory_space<vmem_shared>>)
        %dma_wait3A_180 = arith.constant 11 : i32
        %dma_wait3A_181 = arith.constant 11 : i32
        %dma_wait3A_182 = arith.constant 0 : i32
        %dma_wait3A_183 = tpu.memref_slice %arg10[%select_n3A_44, %dma_wait3A_181, %dma_wait3A_182] : memref<2x24x4096xi32, #tpu.memory_space<vmem_shared>> -> memref<1x1x4096xi32, #tpu.memory_space<vmem_shared>>
        %dma_wait3A_184 = tpu.memref_squeeze %dma_wait3A_183 : memref<1x1x4096xi32, #tpu.memory_space<vmem_shared>> -> memref<4096xi32, #tpu.memory_space<vmem_shared>>
        %dma_wait3A_185 = arith.constant 0 : i32
        %dma_wait3A_186 = tpu.memref_slice %arg3[%scan3A_34, %dma_wait3A_180, %dma_wait3A_185] : memref<26x20x4096xi32, #tpu.memory_space<hbm>> -> memref<1x1x4096xi32, #tpu.memory_space<hbm>>
        %dma_wait3A_187 = tpu.memref_squeeze %dma_wait3A_186 : memref<1x1x4096xi32, #tpu.memory_space<hbm>> -> memref<4096xi32, #tpu.memory_space<hbm>>
        tpu.wait_dma2 semaphore(%arg15 : memref<!tpu.dma_semaphore, #tpu.memory_space<semaphore_mem>>) src(%dma_wait3A_187 : memref<4096xi32, #tpu.memory_space<hbm>>) dst(%dma_wait3A_184 : memref<4096xi32, #tpu.memory_space<vmem_shared>>)
        %dma_wait3A_188 = arith.constant 12 : i32
        %dma_wait3A_189 = arith.constant 12 : i32
        %dma_wait3A_190 = arith.constant 0 : i32
        %dma_wait3A_191 = tpu.memref_slice %arg10[%select_n3A_44, %dma_wait3A_189, %dma_wait3A_190] : memref<2x24x4096xi32, #tpu.memory_space<vmem_shared>> -> memref<1x1x4096xi32, #tpu.memory_space<vmem_shared>>
        %dma_wait3A_192 = tpu.memref_squeeze %dma_wait3A_191 : memref<1x1x4096xi32, #tpu.memory_space<vmem_shared>> -> memref<4096xi32, #tpu.memory_space<vmem_shared>>
        %dma_wait3A_193 = arith.constant 0 : i32
        %dma_wait3A_194 = tpu.memref_slice %arg3[%scan3A_34, %dma_wait3A_188, %dma_wait3A_193] : memref<26x20x4096xi32, #tpu.memory_space<hbm>> -> memref<1x1x4096xi32, #tpu.memory_space<hbm>>
        %dma_wait3A_195 = tpu.memref_squeeze %dma_wait3A_194 : memref<1x1x4096xi32, #tpu.memory_space<hbm>> -> memref<4096xi32, #tpu.memory_space<hbm>>
        tpu.wait_dma2 semaphore(%arg15 : memref<!tpu.dma_semaphore, #tpu.memory_space<semaphore_mem>>) src(%dma_wait3A_195 : memref<4096xi32, #tpu.memory_space<hbm>>) dst(%dma_wait3A_192 : memref<4096xi32, #tpu.memory_space<vmem_shared>>)
        %dma_wait3A_196 = arith.constant 13 : i32
        %dma_wait3A_197 = arith.constant 13 : i32
        %dma_wait3A_198 = arith.constant 0 : i32
        %dma_wait3A_199 = tpu.memref_slice %arg10[%select_n3A_44, %dma_wait3A_197, %dma_wait3A_198] : memref<2x24x4096xi32, #tpu.memory_space<vmem_shared>> -> memref<1x1x4096xi32, #tpu.memory_space<vmem_shared>>
        %dma_wait3A_200 = tpu.memref_squeeze %dma_wait3A_199 : memref<1x1x4096xi32, #tpu.memory_space<vmem_shared>> -> memref<4096xi32, #tpu.memory_space<vmem_shared>>
        %dma_wait3A_201 = arith.constant 0 : i32
        %dma_wait3A_202 = tpu.memref_slice %arg3[%scan3A_34, %dma_wait3A_196, %dma_wait3A_201] : memref<26x20x4096xi32, #tpu.memory_space<hbm>> -> memref<1x1x4096xi32, #tpu.memory_space<hbm>>
        %dma_wait3A_203 = tpu.memref_squeeze %dma_wait3A_202 : memref<1x1x4096xi32, #tpu.memory_space<hbm>> -> memref<4096xi32, #tpu.memory_space<hbm>>
        tpu.wait_dma2 semaphore(%arg15 : memref<!tpu.dma_semaphore, #tpu.memory_space<semaphore_mem>>) src(%dma_wait3A_203 : memref<4096xi32, #tpu.memory_space<hbm>>) dst(%dma_wait3A_200 : memref<4096xi32, #tpu.memory_space<vmem_shared>>)
        %dma_wait3A_204 = arith.constant 14 : i32
        %dma_wait3A_205 = arith.constant 14 : i32
        %dma_wait3A_206 = arith.constant 0 : i32
        %dma_wait3A_207 = tpu.memref_slice %arg10[%select_n3A_44, %dma_wait3A_205, %dma_wait3A_206] : memref<2x24x4096xi32, #tpu.memory_space<vmem_shared>> -> memref<1x1x4096xi32, #tpu.memory_space<vmem_shared>>
        %dma_wait3A_208 = tpu.memref_squeeze %dma_wait3A_207 : memref<1x1x4096xi32, #tpu.memory_space<vmem_shared>> -> memref<4096xi32, #tpu.memory_space<vmem_shared>>
        %dma_wait3A_209 = arith.constant 0 : i32
        %dma_wait3A_210 = tpu.memref_slice %arg3[%scan3A_34, %dma_wait3A_204, %dma_wait3A_209] : memref<26x20x4096xi32, #tpu.memory_space<hbm>> -> memref<1x1x4096xi32, #tpu.memory_space<hbm>>
        %dma_wait3A_211 = tpu.memref_squeeze %dma_wait3A_210 : memref<1x1x4096xi32, #tpu.memory_space<hbm>> -> memref<4096xi32, #tpu.memory_space<hbm>>
        tpu.wait_dma2 semaphore(%arg15 : memref<!tpu.dma_semaphore, #tpu.memory_space<semaphore_mem>>) src(%dma_wait3A_211 : memref<4096xi32, #tpu.memory_space<hbm>>) dst(%dma_wait3A_208 : memref<4096xi32, #tpu.memory_space<vmem_shared>>)
        %dma_wait3A_212 = arith.constant 15 : i32
        %dma_wait3A_213 = arith.constant 15 : i32
        %dma_wait3A_214 = arith.constant 0 : i32
        %dma_wait3A_215 = tpu.memref_slice %arg10[%select_n3A_44, %dma_wait3A_213, %dma_wait3A_214] : memref<2x24x4096xi32, #tpu.memory_space<vmem_shared>> -> memref<1x1x4096xi32, #tpu.memory_space<vmem_shared>>
        %dma_wait3A_216 = tpu.memref_squeeze %dma_wait3A_215 : memref<1x1x4096xi32, #tpu.memory_space<vmem_shared>> -> memref<4096xi32, #tpu.memory_space<vmem_shared>>
        %dma_wait3A_217 = arith.constant 0 : i32
        %dma_wait3A_218 = tpu.memref_slice %arg3[%scan3A_34, %dma_wait3A_212, %dma_wait3A_217] : memref<26x20x4096xi32, #tpu.memory_space<hbm>> -> memref<1x1x4096xi32, #tpu.memory_space<hbm>>
        %dma_wait3A_219 = tpu.memref_squeeze %dma_wait3A_218 : memref<1x1x4096xi32, #tpu.memory_space<hbm>> -> memref<4096xi32, #tpu.memory_space<hbm>>
        tpu.wait_dma2 semaphore(%arg15 : memref<!tpu.dma_semaphore, #tpu.memory_space<semaphore_mem>>) src(%dma_wait3A_219 : memref<4096xi32, #tpu.memory_space<hbm>>) dst(%dma_wait3A_216 : memref<4096xi32, #tpu.memory_space<vmem_shared>>)
        %dma_wait3A_220 = arith.constant 16 : i32
        %dma_wait3A_221 = arith.constant 16 : i32
        %dma_wait3A_222 = arith.constant 0 : i32
        %dma_wait3A_223 = tpu.memref_slice %arg10[%select_n3A_44, %dma_wait3A_221, %dma_wait3A_222] : memref<2x24x4096xi32, #tpu.memory_space<vmem_shared>> -> memref<1x1x4096xi32, #tpu.memory_space<vmem_shared>>
        %dma_wait3A_224 = tpu.memref_squeeze %dma_wait3A_223 : memref<1x1x4096xi32, #tpu.memory_space<vmem_shared>> -> memref<4096xi32, #tpu.memory_space<vmem_shared>>
        %dma_wait3A_225 = arith.constant 0 : i32
        %dma_wait3A_226 = tpu.memref_slice %arg3[%scan3A_34, %dma_wait3A_220, %dma_wait3A_225] : memref<26x20x4096xi32, #tpu.memory_space<hbm>> -> memref<1x1x4096xi32, #tpu.memory_space<hbm>>
        %dma_wait3A_227 = tpu.memref_squeeze %dma_wait3A_226 : memref<1x1x4096xi32, #tpu.memory_space<hbm>> -> memref<4096xi32, #tpu.memory_space<hbm>>
        tpu.wait_dma2 semaphore(%arg15 : memref<!tpu.dma_semaphore, #tpu.memory_space<semaphore_mem>>) src(%dma_wait3A_227 : memref<4096xi32, #tpu.memory_space<hbm>>) dst(%dma_wait3A_224 : memref<4096xi32, #tpu.memory_space<vmem_shared>>)
        %dma_wait3A_228 = arith.constant 17 : i32
        %dma_wait3A_229 = arith.constant 17 : i32
        %dma_wait3A_230 = arith.constant 0 : i32
        %dma_wait3A_231 = tpu.memref_slice %arg10[%select_n3A_44, %dma_wait3A_229, %dma_wait3A_230] : memref<2x24x4096xi32, #tpu.memory_space<vmem_shared>> -> memref<1x1x4096xi32, #tpu.memory_space<vmem_shared>>
        %dma_wait3A_232 = tpu.memref_squeeze %dma_wait3A_231 : memref<1x1x4096xi32, #tpu.memory_space<vmem_shared>> -> memref<4096xi32, #tpu.memory_space<vmem_shared>>
        %dma_wait3A_233 = arith.constant 0 : i32
        %dma_wait3A_234 = tpu.memref_slice %arg3[%scan3A_34, %dma_wait3A_228, %dma_wait3A_233] : memref<26x20x4096xi32, #tpu.memory_space<hbm>> -> memref<1x1x4096xi32, #tpu.memory_space<hbm>>
        %dma_wait3A_235 = tpu.memref_squeeze %dma_wait3A_234 : memref<1x1x4096xi32, #tpu.memory_space<hbm>> -> memref<4096xi32, #tpu.memory_space<hbm>>
        tpu.wait_dma2 semaphore(%arg15 : memref<!tpu.dma_semaphore, #tpu.memory_space<semaphore_mem>>) src(%dma_wait3A_235 : memref<4096xi32, #tpu.memory_space<hbm>>) dst(%dma_wait3A_232 : memref<4096xi32, #tpu.memory_space<vmem_shared>>)
        %dma_wait3A_236 = arith.constant 18 : i32
        %dma_wait3A_237 = arith.constant 18 : i32
        %dma_wait3A_238 = arith.constant 0 : i32
        %dma_wait3A_239 = tpu.memref_slice %arg10[%select_n3A_44, %dma_wait3A_237, %dma_wait3A_238] : memref<2x24x4096xi32, #tpu.memory_space<vmem_shared>> -> memref<1x1x4096xi32, #tpu.memory_space<vmem_shared>>
        %dma_wait3A_240 = tpu.memref_squeeze %dma_wait3A_239 : memref<1x1x4096xi32, #tpu.memory_space<vmem_shared>> -> memref<4096xi32, #tpu.memory_space<vmem_shared>>
        %dma_wait3A_241 = arith.constant 0 : i32
        %dma_wait3A_242 = tpu.memref_slice %arg3[%scan3A_34, %dma_wait3A_236, %dma_wait3A_241] : memref<26x20x4096xi32, #tpu.memory_space<hbm>> -> memref<1x1x4096xi32, #tpu.memory_space<hbm>>
        %dma_wait3A_243 = tpu.memref_squeeze %dma_wait3A_242 : memref<1x1x4096xi32, #tpu.memory_space<hbm>> -> memref<4096xi32, #tpu.memory_space<hbm>>
        tpu.wait_dma2 semaphore(%arg15 : memref<!tpu.dma_semaphore, #tpu.memory_space<semaphore_mem>>) src(%dma_wait3A_243 : memref<4096xi32, #tpu.memory_space<hbm>>) dst(%dma_wait3A_240 : memref<4096xi32, #tpu.memory_space<vmem_shared>>)
        %dma_wait3A_244 = arith.constant 19 : i32
        %dma_wait3A_245 = arith.constant 19 : i32
        %dma_wait3A_246 = arith.constant 0 : i32
        %dma_wait3A_247 = tpu.memref_slice %arg10[%select_n3A_44, %dma_wait3A_245, %dma_wait3A_246] : memref<2x24x4096xi32, #tpu.memory_space<vmem_shared>> -> memref<1x1x4096xi32, #tpu.memory_space<vmem_shared>>
        %dma_wait3A_248 = tpu.memref_squeeze %dma_wait3A_247 : memref<1x1x4096xi32, #tpu.memory_space<vmem_shared>> -> memref<4096xi32, #tpu.memory_space<vmem_shared>>
        %dma_wait3A_249 = arith.constant 0 : i32
        %dma_wait3A_250 = tpu.memref_slice %arg3[%scan3A_34, %dma_wait3A_244, %dma_wait3A_249] : memref<26x20x4096xi32, #tpu.memory_space<hbm>> -> memref<1x1x4096xi32, #tpu.memory_space<hbm>>
        %dma_wait3A_251 = tpu.memref_squeeze %dma_wait3A_250 : memref<1x1x4096xi32, #tpu.memory_space<hbm>> -> memref<4096xi32, #tpu.memory_space<hbm>>
        tpu.wait_dma2 semaphore(%arg15 : memref<!tpu.dma_semaphore, #tpu.memory_space<semaphore_mem>>) src(%dma_wait3A_251 : memref<4096xi32, #tpu.memory_space<hbm>>) dst(%dma_wait3A_248 : memref<4096xi32, #tpu.memory_space<vmem_shared>>)
      } else {
      }
      %barrier3A = arith.constant 0 : index
      tpu.barrier barrier_id(%barrier3A)
      %eq3A_56 = arith.constant 0 : i32
      %eq3A_57 = arith.cmpi eq, %arg1, %eq3A_56 : i32
      %add3A_58 = arith.constant 1 : i32
      %add3A_59 = arith.addi %scan3A_34, %add3A_58 : i32
      %lt3A_60 = arith.constant 26 : i32
      %lt3A_61 = arith.cmpi slt, %add3A_59, %lt3A_60 : i32
      %and3A_62 = arith.andi %eq3A_57, %lt3A_61 : i1
      %convert_element_type3A_63 = arith.extui %and3A_62 : i1 to i32
      %cond3A_64 = arith.constant 0 : i32
      %cond3A_65 = arith.cmpi ne, %convert_element_type3A_63, %cond3A_64 : i32
      scf.if %cond3A_65 {
        %add3A_92 = arith.constant 1 : i32
        %add3A_93 = arith.addi %scan3A_34, %add3A_92 : i32
        %add3A_94 = arith.constant 1 : i32
        %add3A_95 = arith.addi %scan3A_34, %add3A_94 : i32
        %jit3A_96 = arith.constant 2 : i32
        %eq3A_97 = arith.constant 0 : i32
        %eq3A_98 = arith.cmpi eq, %jit3A_96, %eq3A_97 : i32
        %jit3A_99 = arith.constant 1 : i32
        %select_n3A_100 = arith.select %eq3A_98, %jit3A_99, %jit3A_96 : i32
        %rem3A_101 = arith.remsi %add3A_95, %select_n3A_100 : i32
        %ne3A_102 = arith.constant 0 : i32
        %ne3A_103 = arith.cmpi ne, %rem3A_101, %ne3A_102 : i32
        %lt3A_104 = arith.constant 0 : i32
        %lt3A_105 = arith.cmpi slt, %rem3A_101, %lt3A_104 : i32
        %lt3A_106 = arith.constant 0 : i32
        %lt3A_107 = arith.cmpi slt, %select_n3A_100, %lt3A_106 : i32
        %ne3A_108 = arith.xori %lt3A_105, %lt3A_107 : i1
        %and3A_109 = arith.andi %ne3A_108, %ne3A_103 : i1
        %add3A_110 = arith.addi %rem3A_101, %select_n3A_100 : i32
        %select_n3A_111 = arith.select %and3A_109, %add3A_110, %rem3A_101 : i32
        %dma_start3A_112 = arith.constant 0 : i32
        %dma_start3A_113 = arith.constant 0 : i32
        %dma_start3A_114 = arith.constant 0 : i32
        %dma_start3A_115 = tpu.memref_slice %arg10[%select_n3A_111, %dma_start3A_113, %dma_start3A_114] : memref<2x24x4096xi32, #tpu.memory_space<vmem_shared>> -> memref<1x1x4096xi32, #tpu.memory_space<vmem_shared>>
        %dma_start3A_116 = tpu.memref_squeeze %dma_start3A_115 : memref<1x1x4096xi32, #tpu.memory_space<vmem_shared>> -> memref<4096xi32, #tpu.memory_space<vmem_shared>>
        %dma_start3A_117 = arith.constant 0 : i32
        %dma_start3A_118 = tpu.memref_slice %arg3[%add3A_93, %dma_start3A_112, %dma_start3A_117] : memref<26x20x4096xi32, #tpu.memory_space<hbm>> -> memref<1x1x4096xi32, #tpu.memory_space<hbm>>
        %dma_start3A_119 = tpu.memref_squeeze %dma_start3A_118 : memref<1x1x4096xi32, #tpu.memory_space<hbm>> -> memref<4096xi32, #tpu.memory_space<hbm>>
        tpu.enqueue_dma source(%dma_start3A_119 : memref<4096xi32, #tpu.memory_space<hbm>>) target(%dma_start3A_116 : memref<4096xi32, #tpu.memory_space<vmem_shared>>) target_semaphore(%arg15 : memref<!tpu.dma_semaphore, #tpu.memory_space<semaphore_mem>>)
        %add3A_120 = arith.constant 1 : i32
        %add3A_121 = arith.addi %scan3A_34, %add3A_120 : i32
        %add3A_122 = arith.constant 1 : i32
        %add3A_123 = arith.addi %scan3A_34, %add3A_122 : i32
        %jit3A_124 = arith.constant 2 : i32
        %eq3A_125 = arith.constant 0 : i32
        %eq3A_126 = arith.cmpi eq, %jit3A_124, %eq3A_125 : i32
        %jit3A_127 = arith.constant 1 : i32
        %select_n3A_128 = arith.select %eq3A_126, %jit3A_127, %jit3A_124 : i32
        %rem3A_129 = arith.remsi %add3A_123, %select_n3A_128 : i32
        %ne3A_130 = arith.constant 0 : i32
        %ne3A_131 = arith.cmpi ne, %rem3A_129, %ne3A_130 : i32
        %lt3A_132 = arith.constant 0 : i32
        %lt3A_133 = arith.cmpi slt, %rem3A_129, %lt3A_132 : i32
        %lt3A_134 = arith.constant 0 : i32
        %lt3A_135 = arith.cmpi slt, %select_n3A_128, %lt3A_134 : i32
        %ne3A_136 = arith.xori %lt3A_133, %lt3A_135 : i1
        %and3A_137 = arith.andi %ne3A_136, %ne3A_131 : i1
        %add3A_138 = arith.addi %rem3A_129, %select_n3A_128 : i32
        %select_n3A_139 = arith.select %and3A_137, %add3A_138, %rem3A_129 : i32
        %dma_start3A_140 = arith.constant 1 : i32
        %dma_start3A_141 = arith.constant 1 : i32
        %dma_start3A_142 = arith.constant 0 : i32
        %dma_start3A_143 = tpu.memref_slice %arg10[%select_n3A_139, %dma_start3A_141, %dma_start3A_142] : memref<2x24x4096xi32, #tpu.memory_space<vmem_shared>> -> memref<1x1x4096xi32, #tpu.memory_space<vmem_shared>>
        %dma_start3A_144 = tpu.memref_squeeze %dma_start3A_143 : memref<1x1x4096xi32, #tpu.memory_space<vmem_shared>> -> memref<4096xi32, #tpu.memory_space<vmem_shared>>
        %dma_start3A_145 = arith.constant 0 : i32
        %dma_start3A_146 = tpu.memref_slice %arg3[%add3A_121, %dma_start3A_140, %dma_start3A_145] : memref<26x20x4096xi32, #tpu.memory_space<hbm>> -> memref<1x1x4096xi32, #tpu.memory_space<hbm>>
        %dma_start3A_147 = tpu.memref_squeeze %dma_start3A_146 : memref<1x1x4096xi32, #tpu.memory_space<hbm>> -> memref<4096xi32, #tpu.memory_space<hbm>>
        tpu.enqueue_dma source(%dma_start3A_147 : memref<4096xi32, #tpu.memory_space<hbm>>) target(%dma_start3A_144 : memref<4096xi32, #tpu.memory_space<vmem_shared>>) target_semaphore(%arg15 : memref<!tpu.dma_semaphore, #tpu.memory_space<semaphore_mem>>)
        %add3A_148 = arith.constant 1 : i32
        %add3A_149 = arith.addi %scan3A_34, %add3A_148 : i32
        %add3A_150 = arith.constant 1 : i32
        %add3A_151 = arith.addi %scan3A_34, %add3A_150 : i32
        %jit3A_152 = arith.constant 2 : i32
        %eq3A_153 = arith.constant 0 : i32
        %eq3A_154 = arith.cmpi eq, %jit3A_152, %eq3A_153 : i32
        %jit3A_155 = arith.constant 1 : i32
        %select_n3A_156 = arith.select %eq3A_154, %jit3A_155, %jit3A_152 : i32
        %rem3A_157 = arith.remsi %add3A_151, %select_n3A_156 : i32
        %ne3A_158 = arith.constant 0 : i32
        %ne3A_159 = arith.cmpi ne, %rem3A_157, %ne3A_158 : i32
        %lt3A_160 = arith.constant 0 : i32
        %lt3A_161 = arith.cmpi slt, %rem3A_157, %lt3A_160 : i32
        %lt3A_162 = arith.constant 0 : i32
        %lt3A_163 = arith.cmpi slt, %select_n3A_156, %lt3A_162 : i32
        %ne3A_164 = arith.xori %lt3A_161, %lt3A_163 : i1
        %and3A_165 = arith.andi %ne3A_164, %ne3A_159 : i1
        %add3A_166 = arith.addi %rem3A_157, %select_n3A_156 : i32
        %select_n3A_167 = arith.select %and3A_165, %add3A_166, %rem3A_157 : i32
        %dma_start3A_168 = arith.constant 2 : i32
        %dma_start3A_169 = arith.constant 2 : i32
        %dma_start3A_170 = arith.constant 0 : i32
        %dma_start3A_171 = tpu.memref_slice %arg10[%select_n3A_167, %dma_start3A_169, %dma_start3A_170] : memref<2x24x4096xi32, #tpu.memory_space<vmem_shared>> -> memref<1x1x4096xi32, #tpu.memory_space<vmem_shared>>
        %dma_start3A_172 = tpu.memref_squeeze %dma_start3A_171 : memref<1x1x4096xi32, #tpu.memory_space<vmem_shared>> -> memref<4096xi32, #tpu.memory_space<vmem_shared>>
        %dma_start3A_173 = arith.constant 0 : i32
        %dma_start3A_174 = tpu.memref_slice %arg3[%add3A_149, %dma_start3A_168, %dma_start3A_173] : memref<26x20x4096xi32, #tpu.memory_space<hbm>> -> memref<1x1x4096xi32, #tpu.memory_space<hbm>>
        %dma_start3A_175 = tpu.memref_squeeze %dma_start3A_174 : memref<1x1x4096xi32, #tpu.memory_space<hbm>> -> memref<4096xi32, #tpu.memory_space<hbm>>
        tpu.enqueue_dma source(%dma_start3A_175 : memref<4096xi32, #tpu.memory_space<hbm>>) target(%dma_start3A_172 : memref<4096xi32, #tpu.memory_space<vmem_shared>>) target_semaphore(%arg15 : memref<!tpu.dma_semaphore, #tpu.memory_space<semaphore_mem>>)
        %add3A_176 = arith.constant 1 : i32
        %add3A_177 = arith.addi %scan3A_34, %add3A_176 : i32
        %add3A_178 = arith.constant 1 : i32
        %add3A_179 = arith.addi %scan3A_34, %add3A_178 : i32
        %jit3A_180 = arith.constant 2 : i32
        %eq3A_181 = arith.constant 0 : i32
        %eq3A_182 = arith.cmpi eq, %jit3A_180, %eq3A_181 : i32
        %jit3A_183 = arith.constant 1 : i32
        %select_n3A_184 = arith.select %eq3A_182, %jit3A_183, %jit3A_180 : i32
        %rem3A_185 = arith.remsi %add3A_179, %select_n3A_184 : i32
        %ne3A_186 = arith.constant 0 : i32
        %ne3A_187 = arith.cmpi ne, %rem3A_185, %ne3A_186 : i32
        %lt3A_188 = arith.constant 0 : i32
        %lt3A_189 = arith.cmpi slt, %rem3A_185, %lt3A_188 : i32
        %lt3A_190 = arith.constant 0 : i32
        %lt3A_191 = arith.cmpi slt, %select_n3A_184, %lt3A_190 : i32
        %ne3A_192 = arith.xori %lt3A_189, %lt3A_191 : i1
        %and3A_193 = arith.andi %ne3A_192, %ne3A_187 : i1
        %add3A_194 = arith.addi %rem3A_185, %select_n3A_184 : i32
        %select_n3A_195 = arith.select %and3A_193, %add3A_194, %rem3A_185 : i32
        %dma_start3A_196 = arith.constant 3 : i32
        %dma_start3A_197 = arith.constant 3 : i32
        %dma_start3A_198 = arith.constant 0 : i32
        %dma_start3A_199 = tpu.memref_slice %arg10[%select_n3A_195, %dma_start3A_197, %dma_start3A_198] : memref<2x24x4096xi32, #tpu.memory_space<vmem_shared>> -> memref<1x1x4096xi32, #tpu.memory_space<vmem_shared>>
        %dma_start3A_200 = tpu.memref_squeeze %dma_start3A_199 : memref<1x1x4096xi32, #tpu.memory_space<vmem_shared>> -> memref<4096xi32, #tpu.memory_space<vmem_shared>>
        %dma_start3A_201 = arith.constant 0 : i32
        %dma_start3A_202 = tpu.memref_slice %arg3[%add3A_177, %dma_start3A_196, %dma_start3A_201] : memref<26x20x4096xi32, #tpu.memory_space<hbm>> -> memref<1x1x4096xi32, #tpu.memory_space<hbm>>
        %dma_start3A_203 = tpu.memref_squeeze %dma_start3A_202 : memref<1x1x4096xi32, #tpu.memory_space<hbm>> -> memref<4096xi32, #tpu.memory_space<hbm>>
        tpu.enqueue_dma source(%dma_start3A_203 : memref<4096xi32, #tpu.memory_space<hbm>>) target(%dma_start3A_200 : memref<4096xi32, #tpu.memory_space<vmem_shared>>) target_semaphore(%arg15 : memref<!tpu.dma_semaphore, #tpu.memory_space<semaphore_mem>>)
        %add3A_204 = arith.constant 1 : i32
        %add3A_205 = arith.addi %scan3A_34, %add3A_204 : i32
        %add3A_206 = arith.constant 1 : i32
        %add3A_207 = arith.addi %scan3A_34, %add3A_206 : i32
        %jit3A_208 = arith.constant 2 : i32
        %eq3A_209 = arith.constant 0 : i32
        %eq3A_210 = arith.cmpi eq, %jit3A_208, %eq3A_209 : i32
        %jit3A_211 = arith.constant 1 : i32
        %select_n3A_212 = arith.select %eq3A_210, %jit3A_211, %jit3A_208 : i32
        %rem3A_213 = arith.remsi %add3A_207, %select_n3A_212 : i32
        %ne3A_214 = arith.constant 0 : i32
        %ne3A_215 = arith.cmpi ne, %rem3A_213, %ne3A_214 : i32
        %lt3A_216 = arith.constant 0 : i32
        %lt3A_217 = arith.cmpi slt, %rem3A_213, %lt3A_216 : i32
        %lt3A_218 = arith.constant 0 : i32
        %lt3A_219 = arith.cmpi slt, %select_n3A_212, %lt3A_218 : i32
        %ne3A_220 = arith.xori %lt3A_217, %lt3A_219 : i1
        %and3A_221 = arith.andi %ne3A_220, %ne3A_215 : i1
        %add3A_222 = arith.addi %rem3A_213, %select_n3A_212 : i32
        %select_n3A_223 = arith.select %and3A_221, %add3A_222, %rem3A_213 : i32
        %dma_start3A_224 = arith.constant 4 : i32
        %dma_start3A_225 = arith.constant 4 : i32
        %dma_start3A_226 = arith.constant 0 : i32
        %dma_start3A_227 = tpu.memref_slice %arg10[%select_n3A_223, %dma_start3A_225, %dma_start3A_226] : memref<2x24x4096xi32, #tpu.memory_space<vmem_shared>> -> memref<1x1x4096xi32, #tpu.memory_space<vmem_shared>>
        %dma_start3A_228 = tpu.memref_squeeze %dma_start3A_227 : memref<1x1x4096xi32, #tpu.memory_space<vmem_shared>> -> memref<4096xi32, #tpu.memory_space<vmem_shared>>
        %dma_start3A_229 = arith.constant 0 : i32
        %dma_start3A_230 = tpu.memref_slice %arg3[%add3A_205, %dma_start3A_224, %dma_start3A_229] : memref<26x20x4096xi32, #tpu.memory_space<hbm>> -> memref<1x1x4096xi32, #tpu.memory_space<hbm>>
        %dma_start3A_231 = tpu.memref_squeeze %dma_start3A_230 : memref<1x1x4096xi32, #tpu.memory_space<hbm>> -> memref<4096xi32, #tpu.memory_space<hbm>>
        tpu.enqueue_dma source(%dma_start3A_231 : memref<4096xi32, #tpu.memory_space<hbm>>) target(%dma_start3A_228 : memref<4096xi32, #tpu.memory_space<vmem_shared>>) target_semaphore(%arg15 : memref<!tpu.dma_semaphore, #tpu.memory_space<semaphore_mem>>)
        %add3A_232 = arith.constant 1 : i32
        %add3A_233 = arith.addi %scan3A_34, %add3A_232 : i32
        %add3A_234 = arith.constant 1 : i32
        %add3A_235 = arith.addi %scan3A_34, %add3A_234 : i32
        %jit3A_236 = arith.constant 2 : i32
        %eq3A_237 = arith.constant 0 : i32
        %eq3A_238 = arith.cmpi eq, %jit3A_236, %eq3A_237 : i32
        %jit3A_239 = arith.constant 1 : i32
        %select_n3A_240 = arith.select %eq3A_238, %jit3A_239, %jit3A_236 : i32
        %rem3A_241 = arith.remsi %add3A_235, %select_n3A_240 : i32
        %ne3A_242 = arith.constant 0 : i32
        %ne3A_243 = arith.cmpi ne, %rem3A_241, %ne3A_242 : i32
        %lt3A_244 = arith.constant 0 : i32
        %lt3A_245 = arith.cmpi slt, %rem3A_241, %lt3A_244 : i32
        %lt3A_246 = arith.constant 0 : i32
        %lt3A_247 = arith.cmpi slt, %select_n3A_240, %lt3A_246 : i32
        %ne3A_248 = arith.xori %lt3A_245, %lt3A_247 : i1
        %and3A_249 = arith.andi %ne3A_248, %ne3A_243 : i1
        %add3A_250 = arith.addi %rem3A_241, %select_n3A_240 : i32
        %select_n3A_251 = arith.select %and3A_249, %add3A_250, %rem3A_241 : i32
        %dma_start3A_252 = arith.constant 5 : i32
        %dma_start3A_253 = arith.constant 5 : i32
        %dma_start3A_254 = arith.constant 0 : i32
        %dma_start3A_255 = tpu.memref_slice %arg10[%select_n3A_251, %dma_start3A_253, %dma_start3A_254] : memref<2x24x4096xi32, #tpu.memory_space<vmem_shared>> -> memref<1x1x4096xi32, #tpu.memory_space<vmem_shared>>
        %dma_start3A_256 = tpu.memref_squeeze %dma_start3A_255 : memref<1x1x4096xi32, #tpu.memory_space<vmem_shared>> -> memref<4096xi32, #tpu.memory_space<vmem_shared>>
        %dma_start3A_257 = arith.constant 0 : i32
        %dma_start3A_258 = tpu.memref_slice %arg3[%add3A_233, %dma_start3A_252, %dma_start3A_257] : memref<26x20x4096xi32, #tpu.memory_space<hbm>> -> memref<1x1x4096xi32, #tpu.memory_space<hbm>>
        %dma_start3A_259 = tpu.memref_squeeze %dma_start3A_258 : memref<1x1x4096xi32, #tpu.memory_space<hbm>> -> memref<4096xi32, #tpu.memory_space<hbm>>
        tpu.enqueue_dma source(%dma_start3A_259 : memref<4096xi32, #tpu.memory_space<hbm>>) target(%dma_start3A_256 : memref<4096xi32, #tpu.memory_space<vmem_shared>>) target_semaphore(%arg15 : memref<!tpu.dma_semaphore, #tpu.memory_space<semaphore_mem>>)
        %add3A_260 = arith.constant 1 : i32
        %add3A_261 = arith.addi %scan3A_34, %add3A_260 : i32
        %add3A_262 = arith.constant 1 : i32
        %add3A_263 = arith.addi %scan3A_34, %add3A_262 : i32
        %jit3A_264 = arith.constant 2 : i32
        %eq3A_265 = arith.constant 0 : i32
        %eq3A_266 = arith.cmpi eq, %jit3A_264, %eq3A_265 : i32
        %jit3A_267 = arith.constant 1 : i32
        %select_n3A_268 = arith.select %eq3A_266, %jit3A_267, %jit3A_264 : i32
        %rem3A_269 = arith.remsi %add3A_263, %select_n3A_268 : i32
        %ne3A_270 = arith.constant 0 : i32
        %ne3A_271 = arith.cmpi ne, %rem3A_269, %ne3A_270 : i32
        %lt3A_272 = arith.constant 0 : i32
        %lt3A_273 = arith.cmpi slt, %rem3A_269, %lt3A_272 : i32
        %lt3A_274 = arith.constant 0 : i32
        %lt3A_275 = arith.cmpi slt, %select_n3A_268, %lt3A_274 : i32
        %ne3A_276 = arith.xori %lt3A_273, %lt3A_275 : i1
        %and3A_277 = arith.andi %ne3A_276, %ne3A_271 : i1
        %add3A_278 = arith.addi %rem3A_269, %select_n3A_268 : i32
        %select_n3A_279 = arith.select %and3A_277, %add3A_278, %rem3A_269 : i32
        %dma_start3A_280 = arith.constant 6 : i32
        %dma_start3A_281 = arith.constant 6 : i32
        %dma_start3A_282 = arith.constant 0 : i32
        %dma_start3A_283 = tpu.memref_slice %arg10[%select_n3A_279, %dma_start3A_281, %dma_start3A_282] : memref<2x24x4096xi32, #tpu.memory_space<vmem_shared>> -> memref<1x1x4096xi32, #tpu.memory_space<vmem_shared>>
        %dma_start3A_284 = tpu.memref_squeeze %dma_start3A_283 : memref<1x1x4096xi32, #tpu.memory_space<vmem_shared>> -> memref<4096xi32, #tpu.memory_space<vmem_shared>>
        %dma_start3A_285 = arith.constant 0 : i32
        %dma_start3A_286 = tpu.memref_slice %arg3[%add3A_261, %dma_start3A_280, %dma_start3A_285] : memref<26x20x4096xi32, #tpu.memory_space<hbm>> -> memref<1x1x4096xi32, #tpu.memory_space<hbm>>
        %dma_start3A_287 = tpu.memref_squeeze %dma_start3A_286 : memref<1x1x4096xi32, #tpu.memory_space<hbm>> -> memref<4096xi32, #tpu.memory_space<hbm>>
        tpu.enqueue_dma source(%dma_start3A_287 : memref<4096xi32, #tpu.memory_space<hbm>>) target(%dma_start3A_284 : memref<4096xi32, #tpu.memory_space<vmem_shared>>) target_semaphore(%arg15 : memref<!tpu.dma_semaphore, #tpu.memory_space<semaphore_mem>>)
        %add3A_288 = arith.constant 1 : i32
        %add3A_289 = arith.addi %scan3A_34, %add3A_288 : i32
        %add3A_290 = arith.constant 1 : i32
        %add3A_291 = arith.addi %scan3A_34, %add3A_290 : i32
        %jit3A_292 = arith.constant 2 : i32
        %eq3A_293 = arith.constant 0 : i32
        %eq3A_294 = arith.cmpi eq, %jit3A_292, %eq3A_293 : i32
        %jit3A_295 = arith.constant 1 : i32
        %select_n3A_296 = arith.select %eq3A_294, %jit3A_295, %jit3A_292 : i32
        %rem3A_297 = arith.remsi %add3A_291, %select_n3A_296 : i32
        %ne3A_298 = arith.constant 0 : i32
        %ne3A_299 = arith.cmpi ne, %rem3A_297, %ne3A_298 : i32
        %lt3A_300 = arith.constant 0 : i32
        %lt3A_301 = arith.cmpi slt, %rem3A_297, %lt3A_300 : i32
        %lt3A_302 = arith.constant 0 : i32
        %lt3A_303 = arith.cmpi slt, %select_n3A_296, %lt3A_302 : i32
        %ne3A_304 = arith.xori %lt3A_301, %lt3A_303 : i1
        %and3A_305 = arith.andi %ne3A_304, %ne3A_299 : i1
        %add3A_306 = arith.addi %rem3A_297, %select_n3A_296 : i32
        %select_n3A_307 = arith.select %and3A_305, %add3A_306, %rem3A_297 : i32
        %dma_start3A_308 = arith.constant 7 : i32
        %dma_start3A_309 = arith.constant 7 : i32
        %dma_start3A_310 = arith.constant 0 : i32
        %dma_start3A_311 = tpu.memref_slice %arg10[%select_n3A_307, %dma_start3A_309, %dma_start3A_310] : memref<2x24x4096xi32, #tpu.memory_space<vmem_shared>> -> memref<1x1x4096xi32, #tpu.memory_space<vmem_shared>>
        %dma_start3A_312 = tpu.memref_squeeze %dma_start3A_311 : memref<1x1x4096xi32, #tpu.memory_space<vmem_shared>> -> memref<4096xi32, #tpu.memory_space<vmem_shared>>
        %dma_start3A_313 = arith.constant 0 : i32
        %dma_start3A_314 = tpu.memref_slice %arg3[%add3A_289, %dma_start3A_308, %dma_start3A_313] : memref<26x20x4096xi32, #tpu.memory_space<hbm>> -> memref<1x1x4096xi32, #tpu.memory_space<hbm>>
        %dma_start3A_315 = tpu.memref_squeeze %dma_start3A_314 : memref<1x1x4096xi32, #tpu.memory_space<hbm>> -> memref<4096xi32, #tpu.memory_space<hbm>>
        tpu.enqueue_dma source(%dma_start3A_315 : memref<4096xi32, #tpu.memory_space<hbm>>) target(%dma_start3A_312 : memref<4096xi32, #tpu.memory_space<vmem_shared>>) target_semaphore(%arg15 : memref<!tpu.dma_semaphore, #tpu.memory_space<semaphore_mem>>)
        %add3A_316 = arith.constant 1 : i32
        %add3A_317 = arith.addi %scan3A_34, %add3A_316 : i32
        %add3A_318 = arith.constant 1 : i32
        %add3A_319 = arith.addi %scan3A_34, %add3A_318 : i32
        %jit3A_320 = arith.constant 2 : i32
        %eq3A_321 = arith.constant 0 : i32
        %eq3A_322 = arith.cmpi eq, %jit3A_320, %eq3A_321 : i32
        %jit3A_323 = arith.constant 1 : i32
        %select_n3A_324 = arith.select %eq3A_322, %jit3A_323, %jit3A_320 : i32
        %rem3A_325 = arith.remsi %add3A_319, %select_n3A_324 : i32
        %ne3A_326 = arith.constant 0 : i32
        %ne3A_327 = arith.cmpi ne, %rem3A_325, %ne3A_326 : i32
        %lt3A_328 = arith.constant 0 : i32
        %lt3A_329 = arith.cmpi slt, %rem3A_325, %lt3A_328 : i32
        %lt3A_330 = arith.constant 0 : i32
        %lt3A_331 = arith.cmpi slt, %select_n3A_324, %lt3A_330 : i32
        %ne3A_332 = arith.xori %lt3A_329, %lt3A_331 : i1
        %and3A_333 = arith.andi %ne3A_332, %ne3A_327 : i1
        %add3A_334 = arith.addi %rem3A_325, %select_n3A_324 : i32
        %select_n3A_335 = arith.select %and3A_333, %add3A_334, %rem3A_325 : i32
        %dma_start3A_336 = arith.constant 8 : i32
        %dma_start3A_337 = arith.constant 8 : i32
        %dma_start3A_338 = arith.constant 0 : i32
        %dma_start3A_339 = tpu.memref_slice %arg10[%select_n3A_335, %dma_start3A_337, %dma_start3A_338] : memref<2x24x4096xi32, #tpu.memory_space<vmem_shared>> -> memref<1x1x4096xi32, #tpu.memory_space<vmem_shared>>
        %dma_start3A_340 = tpu.memref_squeeze %dma_start3A_339 : memref<1x1x4096xi32, #tpu.memory_space<vmem_shared>> -> memref<4096xi32, #tpu.memory_space<vmem_shared>>
        %dma_start3A_341 = arith.constant 0 : i32
        %dma_start3A_342 = tpu.memref_slice %arg3[%add3A_317, %dma_start3A_336, %dma_start3A_341] : memref<26x20x4096xi32, #tpu.memory_space<hbm>> -> memref<1x1x4096xi32, #tpu.memory_space<hbm>>
        %dma_start3A_343 = tpu.memref_squeeze %dma_start3A_342 : memref<1x1x4096xi32, #tpu.memory_space<hbm>> -> memref<4096xi32, #tpu.memory_space<hbm>>
        tpu.enqueue_dma source(%dma_start3A_343 : memref<4096xi32, #tpu.memory_space<hbm>>) target(%dma_start3A_340 : memref<4096xi32, #tpu.memory_space<vmem_shared>>) target_semaphore(%arg15 : memref<!tpu.dma_semaphore, #tpu.memory_space<semaphore_mem>>)
        %add3A_344 = arith.constant 1 : i32
        %add3A_345 = arith.addi %scan3A_34, %add3A_344 : i32
        %add3A_346 = arith.constant 1 : i32
        %add3A_347 = arith.addi %scan3A_34, %add3A_346 : i32
        %jit3A_348 = arith.constant 2 : i32
        %eq3A_349 = arith.constant 0 : i32
        %eq3A_350 = arith.cmpi eq, %jit3A_348, %eq3A_349 : i32
        %jit3A_351 = arith.constant 1 : i32
        %select_n3A_352 = arith.select %eq3A_350, %jit3A_351, %jit3A_348 : i32
        %rem3A_353 = arith.remsi %add3A_347, %select_n3A_352 : i32
        %ne3A_354 = arith.constant 0 : i32
        %ne3A_355 = arith.cmpi ne, %rem3A_353, %ne3A_354 : i32
        %lt3A_356 = arith.constant 0 : i32
        %lt3A_357 = arith.cmpi slt, %rem3A_353, %lt3A_356 : i32
        %lt3A_358 = arith.constant 0 : i32
        %lt3A_359 = arith.cmpi slt, %select_n3A_352, %lt3A_358 : i32
        %ne3A_360 = arith.xori %lt3A_357, %lt3A_359 : i1
        %and3A_361 = arith.andi %ne3A_360, %ne3A_355 : i1
        %add3A_362 = arith.addi %rem3A_353, %select_n3A_352 : i32
        %select_n3A_363 = arith.select %and3A_361, %add3A_362, %rem3A_353 : i32
        %dma_start3A_364 = arith.constant 9 : i32
        %dma_start3A_365 = arith.constant 9 : i32
        %dma_start3A_366 = arith.constant 0 : i32
        %dma_start3A_367 = tpu.memref_slice %arg10[%select_n3A_363, %dma_start3A_365, %dma_start3A_366] : memref<2x24x4096xi32, #tpu.memory_space<vmem_shared>> -> memref<1x1x4096xi32, #tpu.memory_space<vmem_shared>>
        %dma_start3A_368 = tpu.memref_squeeze %dma_start3A_367 : memref<1x1x4096xi32, #tpu.memory_space<vmem_shared>> -> memref<4096xi32, #tpu.memory_space<vmem_shared>>
        %dma_start3A_369 = arith.constant 0 : i32
        %dma_start3A_370 = tpu.memref_slice %arg3[%add3A_345, %dma_start3A_364, %dma_start3A_369] : memref<26x20x4096xi32, #tpu.memory_space<hbm>> -> memref<1x1x4096xi32, #tpu.memory_space<hbm>>
        %dma_start3A_371 = tpu.memref_squeeze %dma_start3A_370 : memref<1x1x4096xi32, #tpu.memory_space<hbm>> -> memref<4096xi32, #tpu.memory_space<hbm>>
        tpu.enqueue_dma source(%dma_start3A_371 : memref<4096xi32, #tpu.memory_space<hbm>>) target(%dma_start3A_368 : memref<4096xi32, #tpu.memory_space<vmem_shared>>) target_semaphore(%arg15 : memref<!tpu.dma_semaphore, #tpu.memory_space<semaphore_mem>>)
        %add3A_372 = arith.constant 1 : i32
        %add3A_373 = arith.addi %scan3A_34, %add3A_372 : i32
        %add3A_374 = arith.constant 1 : i32
        %add3A_375 = arith.addi %scan3A_34, %add3A_374 : i32
        %jit3A_376 = arith.constant 2 : i32
        %eq3A_377 = arith.constant 0 : i32
        %eq3A_378 = arith.cmpi eq, %jit3A_376, %eq3A_377 : i32
        %jit3A_379 = arith.constant 1 : i32
        %select_n3A_380 = arith.select %eq3A_378, %jit3A_379, %jit3A_376 : i32
        %rem3A_381 = arith.remsi %add3A_375, %select_n3A_380 : i32
        %ne3A_382 = arith.constant 0 : i32
        %ne3A_383 = arith.cmpi ne, %rem3A_381, %ne3A_382 : i32
        %lt3A_384 = arith.constant 0 : i32
        %lt3A_385 = arith.cmpi slt, %rem3A_381, %lt3A_384 : i32
        %lt3A_386 = arith.constant 0 : i32
        %lt3A_387 = arith.cmpi slt, %select_n3A_380, %lt3A_386 : i32
        %ne3A_388 = arith.xori %lt3A_385, %lt3A_387 : i1
        %and3A_389 = arith.andi %ne3A_388, %ne3A_383 : i1
        %add3A_390 = arith.addi %rem3A_381, %select_n3A_380 : i32
        %select_n3A_391 = arith.select %and3A_389, %add3A_390, %rem3A_381 : i32
        %dma_start3A_392 = arith.constant 10 : i32
        %dma_start3A_393 = arith.constant 10 : i32
        %dma_start3A_394 = arith.constant 0 : i32
        %dma_start3A_395 = tpu.memref_slice %arg10[%select_n3A_391, %dma_start3A_393, %dma_start3A_394] : memref<2x24x4096xi32, #tpu.memory_space<vmem_shared>> -> memref<1x1x4096xi32, #tpu.memory_space<vmem_shared>>
        %dma_start3A_396 = tpu.memref_squeeze %dma_start3A_395 : memref<1x1x4096xi32, #tpu.memory_space<vmem_shared>> -> memref<4096xi32, #tpu.memory_space<vmem_shared>>
        %dma_start3A_397 = arith.constant 0 : i32
        %dma_start3A_398 = tpu.memref_slice %arg3[%add3A_373, %dma_start3A_392, %dma_start3A_397] : memref<26x20x4096xi32, #tpu.memory_space<hbm>> -> memref<1x1x4096xi32, #tpu.memory_space<hbm>>
        %dma_start3A_399 = tpu.memref_squeeze %dma_start3A_398 : memref<1x1x4096xi32, #tpu.memory_space<hbm>> -> memref<4096xi32, #tpu.memory_space<hbm>>
        tpu.enqueue_dma source(%dma_start3A_399 : memref<4096xi32, #tpu.memory_space<hbm>>) target(%dma_start3A_396 : memref<4096xi32, #tpu.memory_space<vmem_shared>>) target_semaphore(%arg15 : memref<!tpu.dma_semaphore, #tpu.memory_space<semaphore_mem>>)
        %add3A_400 = arith.constant 1 : i32
        %add3A_401 = arith.addi %scan3A_34, %add3A_400 : i32
        %add3A_402 = arith.constant 1 : i32
        %add3A_403 = arith.addi %scan3A_34, %add3A_402 : i32
        %jit3A_404 = arith.constant 2 : i32
        %eq3A_405 = arith.constant 0 : i32
        %eq3A_406 = arith.cmpi eq, %jit3A_404, %eq3A_405 : i32
        %jit3A_407 = arith.constant 1 : i32
        %select_n3A_408 = arith.select %eq3A_406, %jit3A_407, %jit3A_404 : i32
        %rem3A_409 = arith.remsi %add3A_403, %select_n3A_408 : i32
        %ne3A_410 = arith.constant 0 : i32
        %ne3A_411 = arith.cmpi ne, %rem3A_409, %ne3A_410 : i32
        %lt3A_412 = arith.constant 0 : i32
        %lt3A_413 = arith.cmpi slt, %rem3A_409, %lt3A_412 : i32
        %lt3A_414 = arith.constant 0 : i32
        %lt3A_415 = arith.cmpi slt, %select_n3A_408, %lt3A_414 : i32
        %ne3A_416 = arith.xori %lt3A_413, %lt3A_415 : i1
        %and3A_417 = arith.andi %ne3A_416, %ne3A_411 : i1
        %add3A_418 = arith.addi %rem3A_409, %select_n3A_408 : i32
        %select_n3A_419 = arith.select %and3A_417, %add3A_418, %rem3A_409 : i32
        %dma_start3A_420 = arith.constant 11 : i32
        %dma_start3A_421 = arith.constant 11 : i32
        %dma_start3A_422 = arith.constant 0 : i32
        %dma_start3A_423 = tpu.memref_slice %arg10[%select_n3A_419, %dma_start3A_421, %dma_start3A_422] : memref<2x24x4096xi32, #tpu.memory_space<vmem_shared>> -> memref<1x1x4096xi32, #tpu.memory_space<vmem_shared>>
        %dma_start3A_424 = tpu.memref_squeeze %dma_start3A_423 : memref<1x1x4096xi32, #tpu.memory_space<vmem_shared>> -> memref<4096xi32, #tpu.memory_space<vmem_shared>>
        %dma_start3A_425 = arith.constant 0 : i32
        %dma_start3A_426 = tpu.memref_slice %arg3[%add3A_401, %dma_start3A_420, %dma_start3A_425] : memref<26x20x4096xi32, #tpu.memory_space<hbm>> -> memref<1x1x4096xi32, #tpu.memory_space<hbm>>
        %dma_start3A_427 = tpu.memref_squeeze %dma_start3A_426 : memref<1x1x4096xi32, #tpu.memory_space<hbm>> -> memref<4096xi32, #tpu.memory_space<hbm>>
        tpu.enqueue_dma source(%dma_start3A_427 : memref<4096xi32, #tpu.memory_space<hbm>>) target(%dma_start3A_424 : memref<4096xi32, #tpu.memory_space<vmem_shared>>) target_semaphore(%arg15 : memref<!tpu.dma_semaphore, #tpu.memory_space<semaphore_mem>>)
        %add3A_428 = arith.constant 1 : i32
        %add3A_429 = arith.addi %scan3A_34, %add3A_428 : i32
        %add3A_430 = arith.constant 1 : i32
        %add3A_431 = arith.addi %scan3A_34, %add3A_430 : i32
        %jit3A_432 = arith.constant 2 : i32
        %eq3A_433 = arith.constant 0 : i32
        %eq3A_434 = arith.cmpi eq, %jit3A_432, %eq3A_433 : i32
        %jit3A_435 = arith.constant 1 : i32
        %select_n3A_436 = arith.select %eq3A_434, %jit3A_435, %jit3A_432 : i32
        %rem3A_437 = arith.remsi %add3A_431, %select_n3A_436 : i32
        %ne3A_438 = arith.constant 0 : i32
        %ne3A_439 = arith.cmpi ne, %rem3A_437, %ne3A_438 : i32
        %lt3A_440 = arith.constant 0 : i32
        %lt3A_441 = arith.cmpi slt, %rem3A_437, %lt3A_440 : i32
        %lt3A_442 = arith.constant 0 : i32
        %lt3A_443 = arith.cmpi slt, %select_n3A_436, %lt3A_442 : i32
        %ne3A_444 = arith.xori %lt3A_441, %lt3A_443 : i1
        %and3A_445 = arith.andi %ne3A_444, %ne3A_439 : i1
        %add3A_446 = arith.addi %rem3A_437, %select_n3A_436 : i32
        %select_n3A_447 = arith.select %and3A_445, %add3A_446, %rem3A_437 : i32
        %dma_start3A_448 = arith.constant 12 : i32
        %dma_start3A_449 = arith.constant 12 : i32
        %dma_start3A_450 = arith.constant 0 : i32
        %dma_start3A_451 = tpu.memref_slice %arg10[%select_n3A_447, %dma_start3A_449, %dma_start3A_450] : memref<2x24x4096xi32, #tpu.memory_space<vmem_shared>> -> memref<1x1x4096xi32, #tpu.memory_space<vmem_shared>>
        %dma_start3A_452 = tpu.memref_squeeze %dma_start3A_451 : memref<1x1x4096xi32, #tpu.memory_space<vmem_shared>> -> memref<4096xi32, #tpu.memory_space<vmem_shared>>
        %dma_start3A_453 = arith.constant 0 : i32
        %dma_start3A_454 = tpu.memref_slice %arg3[%add3A_429, %dma_start3A_448, %dma_start3A_453] : memref<26x20x4096xi32, #tpu.memory_space<hbm>> -> memref<1x1x4096xi32, #tpu.memory_space<hbm>>
        %dma_start3A_455 = tpu.memref_squeeze %dma_start3A_454 : memref<1x1x4096xi32, #tpu.memory_space<hbm>> -> memref<4096xi32, #tpu.memory_space<hbm>>
        tpu.enqueue_dma source(%dma_start3A_455 : memref<4096xi32, #tpu.memory_space<hbm>>) target(%dma_start3A_452 : memref<4096xi32, #tpu.memory_space<vmem_shared>>) target_semaphore(%arg15 : memref<!tpu.dma_semaphore, #tpu.memory_space<semaphore_mem>>)
        %add3A_456 = arith.constant 1 : i32
        %add3A_457 = arith.addi %scan3A_34, %add3A_456 : i32
        %add3A_458 = arith.constant 1 : i32
        %add3A_459 = arith.addi %scan3A_34, %add3A_458 : i32
        %jit3A_460 = arith.constant 2 : i32
        %eq3A_461 = arith.constant 0 : i32
        %eq3A_462 = arith.cmpi eq, %jit3A_460, %eq3A_461 : i32
        %jit3A_463 = arith.constant 1 : i32
        %select_n3A_464 = arith.select %eq3A_462, %jit3A_463, %jit3A_460 : i32
        %rem3A_465 = arith.remsi %add3A_459, %select_n3A_464 : i32
        %ne3A_466 = arith.constant 0 : i32
        %ne3A_467 = arith.cmpi ne, %rem3A_465, %ne3A_466 : i32
        %lt3A_468 = arith.constant 0 : i32
        %lt3A_469 = arith.cmpi slt, %rem3A_465, %lt3A_468 : i32
        %lt3A_470 = arith.constant 0 : i32
        %lt3A_471 = arith.cmpi slt, %select_n3A_464, %lt3A_470 : i32
        %ne3A_472 = arith.xori %lt3A_469, %lt3A_471 : i1
        %and3A_473 = arith.andi %ne3A_472, %ne3A_467 : i1
        %add3A_474 = arith.addi %rem3A_465, %select_n3A_464 : i32
        %select_n3A_475 = arith.select %and3A_473, %add3A_474, %rem3A_465 : i32
        %dma_start3A_476 = arith.constant 13 : i32
        %dma_start3A_477 = arith.constant 13 : i32
        %dma_start3A_478 = arith.constant 0 : i32
        %dma_start3A_479 = tpu.memref_slice %arg10[%select_n3A_475, %dma_start3A_477, %dma_start3A_478] : memref<2x24x4096xi32, #tpu.memory_space<vmem_shared>> -> memref<1x1x4096xi32, #tpu.memory_space<vmem_shared>>
        %dma_start3A_480 = tpu.memref_squeeze %dma_start3A_479 : memref<1x1x4096xi32, #tpu.memory_space<vmem_shared>> -> memref<4096xi32, #tpu.memory_space<vmem_shared>>
        %dma_start3A_481 = arith.constant 0 : i32
        %dma_start3A_482 = tpu.memref_slice %arg3[%add3A_457, %dma_start3A_476, %dma_start3A_481] : memref<26x20x4096xi32, #tpu.memory_space<hbm>> -> memref<1x1x4096xi32, #tpu.memory_space<hbm>>
        %dma_start3A_483 = tpu.memref_squeeze %dma_start3A_482 : memref<1x1x4096xi32, #tpu.memory_space<hbm>> -> memref<4096xi32, #tpu.memory_space<hbm>>
        tpu.enqueue_dma source(%dma_start3A_483 : memref<4096xi32, #tpu.memory_space<hbm>>) target(%dma_start3A_480 : memref<4096xi32, #tpu.memory_space<vmem_shared>>) target_semaphore(%arg15 : memref<!tpu.dma_semaphore, #tpu.memory_space<semaphore_mem>>)
        %add3A_484 = arith.constant 1 : i32
        %add3A_485 = arith.addi %scan3A_34, %add3A_484 : i32
        %add3A_486 = arith.constant 1 : i32
        %add3A_487 = arith.addi %scan3A_34, %add3A_486 : i32
        %jit3A_488 = arith.constant 2 : i32
        %eq3A_489 = arith.constant 0 : i32
        %eq3A_490 = arith.cmpi eq, %jit3A_488, %eq3A_489 : i32
        %jit3A_491 = arith.constant 1 : i32
        %select_n3A_492 = arith.select %eq3A_490, %jit3A_491, %jit3A_488 : i32
        %rem3A_493 = arith.remsi %add3A_487, %select_n3A_492 : i32
        %ne3A_494 = arith.constant 0 : i32
        %ne3A_495 = arith.cmpi ne, %rem3A_493, %ne3A_494 : i32
        %lt3A_496 = arith.constant 0 : i32
        %lt3A_497 = arith.cmpi slt, %rem3A_493, %lt3A_496 : i32
        %lt3A_498 = arith.constant 0 : i32
        %lt3A_499 = arith.cmpi slt, %select_n3A_492, %lt3A_498 : i32
        %ne3A_500 = arith.xori %lt3A_497, %lt3A_499 : i1
        %and3A_501 = arith.andi %ne3A_500, %ne3A_495 : i1
        %add3A_502 = arith.addi %rem3A_493, %select_n3A_492 : i32
        %select_n3A_503 = arith.select %and3A_501, %add3A_502, %rem3A_493 : i32
        %dma_start3A_504 = arith.constant 14 : i32
        %dma_start3A_505 = arith.constant 14 : i32
        %dma_start3A_506 = arith.constant 0 : i32
        %dma_start3A_507 = tpu.memref_slice %arg10[%select_n3A_503, %dma_start3A_505, %dma_start3A_506] : memref<2x24x4096xi32, #tpu.memory_space<vmem_shared>> -> memref<1x1x4096xi32, #tpu.memory_space<vmem_shared>>
        %dma_start3A_508 = tpu.memref_squeeze %dma_start3A_507 : memref<1x1x4096xi32, #tpu.memory_space<vmem_shared>> -> memref<4096xi32, #tpu.memory_space<vmem_shared>>
        %dma_start3A_509 = arith.constant 0 : i32
        %dma_start3A_510 = tpu.memref_slice %arg3[%add3A_485, %dma_start3A_504, %dma_start3A_509] : memref<26x20x4096xi32, #tpu.memory_space<hbm>> -> memref<1x1x4096xi32, #tpu.memory_space<hbm>>
        %dma_start3A_511 = tpu.memref_squeeze %dma_start3A_510 : memref<1x1x4096xi32, #tpu.memory_space<hbm>> -> memref<4096xi32, #tpu.memory_space<hbm>>
        tpu.enqueue_dma source(%dma_start3A_511 : memref<4096xi32, #tpu.memory_space<hbm>>) target(%dma_start3A_508 : memref<4096xi32, #tpu.memory_space<vmem_shared>>) target_semaphore(%arg15 : memref<!tpu.dma_semaphore, #tpu.memory_space<semaphore_mem>>)
        %add3A_512 = arith.constant 1 : i32
        %add3A_513 = arith.addi %scan3A_34, %add3A_512 : i32
        %add3A_514 = arith.constant 1 : i32
        %add3A_515 = arith.addi %scan3A_34, %add3A_514 : i32
        %jit3A_516 = arith.constant 2 : i32
        %eq3A_517 = arith.constant 0 : i32
        %eq3A_518 = arith.cmpi eq, %jit3A_516, %eq3A_517 : i32
        %jit3A_519 = arith.constant 1 : i32
        %select_n3A_520 = arith.select %eq3A_518, %jit3A_519, %jit3A_516 : i32
        %rem3A_521 = arith.remsi %add3A_515, %select_n3A_520 : i32
        %ne3A_522 = arith.constant 0 : i32
        %ne3A_523 = arith.cmpi ne, %rem3A_521, %ne3A_522 : i32
        %lt3A_524 = arith.constant 0 : i32
        %lt3A_525 = arith.cmpi slt, %rem3A_521, %lt3A_524 : i32
        %lt3A_526 = arith.constant 0 : i32
        %lt3A_527 = arith.cmpi slt, %select_n3A_520, %lt3A_526 : i32
        %ne3A_528 = arith.xori %lt3A_525, %lt3A_527 : i1
        %and3A_529 = arith.andi %ne3A_528, %ne3A_523 : i1
        %add3A_530 = arith.addi %rem3A_521, %select_n3A_520 : i32
        %select_n3A_531 = arith.select %and3A_529, %add3A_530, %rem3A_521 : i32
        %dma_start3A_532 = arith.constant 15 : i32
        %dma_start3A_533 = arith.constant 15 : i32
        %dma_start3A_534 = arith.constant 0 : i32
        %dma_start3A_535 = tpu.memref_slice %arg10[%select_n3A_531, %dma_start3A_533, %dma_start3A_534] : memref<2x24x4096xi32, #tpu.memory_space<vmem_shared>> -> memref<1x1x4096xi32, #tpu.memory_space<vmem_shared>>
        %dma_start3A_536 = tpu.memref_squeeze %dma_start3A_535 : memref<1x1x4096xi32, #tpu.memory_space<vmem_shared>> -> memref<4096xi32, #tpu.memory_space<vmem_shared>>
        %dma_start3A_537 = arith.constant 0 : i32
        %dma_start3A_538 = tpu.memref_slice %arg3[%add3A_513, %dma_start3A_532, %dma_start3A_537] : memref<26x20x4096xi32, #tpu.memory_space<hbm>> -> memref<1x1x4096xi32, #tpu.memory_space<hbm>>
        %dma_start3A_539 = tpu.memref_squeeze %dma_start3A_538 : memref<1x1x4096xi32, #tpu.memory_space<hbm>> -> memref<4096xi32, #tpu.memory_space<hbm>>
        tpu.enqueue_dma source(%dma_start3A_539 : memref<4096xi32, #tpu.memory_space<hbm>>) target(%dma_start3A_536 : memref<4096xi32, #tpu.memory_space<vmem_shared>>) target_semaphore(%arg15 : memref<!tpu.dma_semaphore, #tpu.memory_space<semaphore_mem>>)
        %add3A_540 = arith.constant 1 : i32
        %add3A_541 = arith.addi %scan3A_34, %add3A_540 : i32
        %add3A_542 = arith.constant 1 : i32
        %add3A_543 = arith.addi %scan3A_34, %add3A_542 : i32
        %jit3A_544 = arith.constant 2 : i32
        %eq3A_545 = arith.constant 0 : i32
        %eq3A_546 = arith.cmpi eq, %jit3A_544, %eq3A_545 : i32
        %jit3A_547 = arith.constant 1 : i32
        %select_n3A_548 = arith.select %eq3A_546, %jit3A_547, %jit3A_544 : i32
        %rem3A_549 = arith.remsi %add3A_543, %select_n3A_548 : i32
        %ne3A_550 = arith.constant 0 : i32
        %ne3A_551 = arith.cmpi ne, %rem3A_549, %ne3A_550 : i32
        %lt3A_552 = arith.constant 0 : i32
        %lt3A_553 = arith.cmpi slt, %rem3A_549, %lt3A_552 : i32
        %lt3A_554 = arith.constant 0 : i32
        %lt3A_555 = arith.cmpi slt, %select_n3A_548, %lt3A_554 : i32
        %ne3A_556 = arith.xori %lt3A_553, %lt3A_555 : i1
        %and3A_557 = arith.andi %ne3A_556, %ne3A_551 : i1
        %add3A_558 = arith.addi %rem3A_549, %select_n3A_548 : i32
        %select_n3A_559 = arith.select %and3A_557, %add3A_558, %rem3A_549 : i32
        %dma_start3A_560 = arith.constant 16 : i32
        %dma_start3A_561 = arith.constant 16 : i32
        %dma_start3A_562 = arith.constant 0 : i32
        %dma_start3A_563 = tpu.memref_slice %arg10[%select_n3A_559, %dma_start3A_561, %dma_start3A_562] : memref<2x24x4096xi32, #tpu.memory_space<vmem_shared>> -> memref<1x1x4096xi32, #tpu.memory_space<vmem_shared>>
        %dma_start3A_564 = tpu.memref_squeeze %dma_start3A_563 : memref<1x1x4096xi32, #tpu.memory_space<vmem_shared>> -> memref<4096xi32, #tpu.memory_space<vmem_shared>>
        %dma_start3A_565 = arith.constant 0 : i32
        %dma_start3A_566 = tpu.memref_slice %arg3[%add3A_541, %dma_start3A_560, %dma_start3A_565] : memref<26x20x4096xi32, #tpu.memory_space<hbm>> -> memref<1x1x4096xi32, #tpu.memory_space<hbm>>
        %dma_start3A_567 = tpu.memref_squeeze %dma_start3A_566 : memref<1x1x4096xi32, #tpu.memory_space<hbm>> -> memref<4096xi32, #tpu.memory_space<hbm>>
        tpu.enqueue_dma source(%dma_start3A_567 : memref<4096xi32, #tpu.memory_space<hbm>>) target(%dma_start3A_564 : memref<4096xi32, #tpu.memory_space<vmem_shared>>) target_semaphore(%arg15 : memref<!tpu.dma_semaphore, #tpu.memory_space<semaphore_mem>>)
        %add3A_568 = arith.constant 1 : i32
        %add3A_569 = arith.addi %scan3A_34, %add3A_568 : i32
        %add3A_570 = arith.constant 1 : i32
        %add3A_571 = arith.addi %scan3A_34, %add3A_570 : i32
        %jit3A_572 = arith.constant 2 : i32
        %eq3A_573 = arith.constant 0 : i32
        %eq3A_574 = arith.cmpi eq, %jit3A_572, %eq3A_573 : i32
        %jit3A_575 = arith.constant 1 : i32
        %select_n3A_576 = arith.select %eq3A_574, %jit3A_575, %jit3A_572 : i32
        %rem3A_577 = arith.remsi %add3A_571, %select_n3A_576 : i32
        %ne3A_578 = arith.constant 0 : i32
        %ne3A_579 = arith.cmpi ne, %rem3A_577, %ne3A_578 : i32
        %lt3A_580 = arith.constant 0 : i32
        %lt3A_581 = arith.cmpi slt, %rem3A_577, %lt3A_580 : i32
        %lt3A_582 = arith.constant 0 : i32
        %lt3A_583 = arith.cmpi slt, %select_n3A_576, %lt3A_582 : i32
        %ne3A_584 = arith.xori %lt3A_581, %lt3A_583 : i1
        %and3A_585 = arith.andi %ne3A_584, %ne3A_579 : i1
        %add3A_586 = arith.addi %rem3A_577, %select_n3A_576 : i32
        %select_n3A_587 = arith.select %and3A_585, %add3A_586, %rem3A_577 : i32
        %dma_start3A_588 = arith.constant 17 : i32
        %dma_start3A_589 = arith.constant 17 : i32
        %dma_start3A_590 = arith.constant 0 : i32
        %dma_start3A_591 = tpu.memref_slice %arg10[%select_n3A_587, %dma_start3A_589, %dma_start3A_590] : memref<2x24x4096xi32, #tpu.memory_space<vmem_shared>> -> memref<1x1x4096xi32, #tpu.memory_space<vmem_shared>>
        %dma_start3A_592 = tpu.memref_squeeze %dma_start3A_591 : memref<1x1x4096xi32, #tpu.memory_space<vmem_shared>> -> memref<4096xi32, #tpu.memory_space<vmem_shared>>
        %dma_start3A_593 = arith.constant 0 : i32
        %dma_start3A_594 = tpu.memref_slice %arg3[%add3A_569, %dma_start3A_588, %dma_start3A_593] : memref<26x20x4096xi32, #tpu.memory_space<hbm>> -> memref<1x1x4096xi32, #tpu.memory_space<hbm>>
        %dma_start3A_595 = tpu.memref_squeeze %dma_start3A_594 : memref<1x1x4096xi32, #tpu.memory_space<hbm>> -> memref<4096xi32, #tpu.memory_space<hbm>>
        tpu.enqueue_dma source(%dma_start3A_595 : memref<4096xi32, #tpu.memory_space<hbm>>) target(%dma_start3A_592 : memref<4096xi32, #tpu.memory_space<vmem_shared>>) target_semaphore(%arg15 : memref<!tpu.dma_semaphore, #tpu.memory_space<semaphore_mem>>)
        %add3A_596 = arith.constant 1 : i32
        %add3A_597 = arith.addi %scan3A_34, %add3A_596 : i32
        %add3A_598 = arith.constant 1 : i32
        %add3A_599 = arith.addi %scan3A_34, %add3A_598 : i32
        %jit3A_600 = arith.constant 2 : i32
        %eq3A_601 = arith.constant 0 : i32
        %eq3A_602 = arith.cmpi eq, %jit3A_600, %eq3A_601 : i32
        %jit3A_603 = arith.constant 1 : i32
        %select_n3A_604 = arith.select %eq3A_602, %jit3A_603, %jit3A_600 : i32
        %rem3A_605 = arith.remsi %add3A_599, %select_n3A_604 : i32
        %ne3A_606 = arith.constant 0 : i32
        %ne3A_607 = arith.cmpi ne, %rem3A_605, %ne3A_606 : i32
        %lt3A_608 = arith.constant 0 : i32
        %lt3A_609 = arith.cmpi slt, %rem3A_605, %lt3A_608 : i32
        %lt3A_610 = arith.constant 0 : i32
        %lt3A_611 = arith.cmpi slt, %select_n3A_604, %lt3A_610 : i32
        %ne3A_612 = arith.xori %lt3A_609, %lt3A_611 : i1
        %and3A_613 = arith.andi %ne3A_612, %ne3A_607 : i1
        %add3A_614 = arith.addi %rem3A_605, %select_n3A_604 : i32
        %select_n3A_615 = arith.select %and3A_613, %add3A_614, %rem3A_605 : i32
        %dma_start3A_616 = arith.constant 18 : i32
        %dma_start3A_617 = arith.constant 18 : i32
        %dma_start3A_618 = arith.constant 0 : i32
        %dma_start3A_619 = tpu.memref_slice %arg10[%select_n3A_615, %dma_start3A_617, %dma_start3A_618] : memref<2x24x4096xi32, #tpu.memory_space<vmem_shared>> -> memref<1x1x4096xi32, #tpu.memory_space<vmem_shared>>
        %dma_start3A_620 = tpu.memref_squeeze %dma_start3A_619 : memref<1x1x4096xi32, #tpu.memory_space<vmem_shared>> -> memref<4096xi32, #tpu.memory_space<vmem_shared>>
        %dma_start3A_621 = arith.constant 0 : i32
        %dma_start3A_622 = tpu.memref_slice %arg3[%add3A_597, %dma_start3A_616, %dma_start3A_621] : memref<26x20x4096xi32, #tpu.memory_space<hbm>> -> memref<1x1x4096xi32, #tpu.memory_space<hbm>>
        %dma_start3A_623 = tpu.memref_squeeze %dma_start3A_622 : memref<1x1x4096xi32, #tpu.memory_space<hbm>> -> memref<4096xi32, #tpu.memory_space<hbm>>
        tpu.enqueue_dma source(%dma_start3A_623 : memref<4096xi32, #tpu.memory_space<hbm>>) target(%dma_start3A_620 : memref<4096xi32, #tpu.memory_space<vmem_shared>>) target_semaphore(%arg15 : memref<!tpu.dma_semaphore, #tpu.memory_space<semaphore_mem>>)
        %add3A_624 = arith.constant 1 : i32
        %add3A_625 = arith.addi %scan3A_34, %add3A_624 : i32
        %add3A_626 = arith.constant 1 : i32
        %add3A_627 = arith.addi %scan3A_34, %add3A_626 : i32
        %jit3A_628 = arith.constant 2 : i32
        %eq3A_629 = arith.constant 0 : i32
        %eq3A_630 = arith.cmpi eq, %jit3A_628, %eq3A_629 : i32
        %jit3A_631 = arith.constant 1 : i32
        %select_n3A_632 = arith.select %eq3A_630, %jit3A_631, %jit3A_628 : i32
        %rem3A_633 = arith.remsi %add3A_627, %select_n3A_632 : i32
        %ne3A_634 = arith.constant 0 : i32
        %ne3A_635 = arith.cmpi ne, %rem3A_633, %ne3A_634 : i32
        %lt3A_636 = arith.constant 0 : i32
        %lt3A_637 = arith.cmpi slt, %rem3A_633, %lt3A_636 : i32
        %lt3A_638 = arith.constant 0 : i32
        %lt3A_639 = arith.cmpi slt, %select_n3A_632, %lt3A_638 : i32
        %ne3A_640 = arith.xori %lt3A_637, %lt3A_639 : i1
        %and3A_641 = arith.andi %ne3A_640, %ne3A_635 : i1
        %add3A_642 = arith.addi %rem3A_633, %select_n3A_632 : i32
        %select_n3A_643 = arith.select %and3A_641, %add3A_642, %rem3A_633 : i32
        %dma_start3A_644 = arith.constant 19 : i32
        %dma_start3A_645 = arith.constant 19 : i32
        %dma_start3A_646 = arith.constant 0 : i32
        %dma_start3A_647 = tpu.memref_slice %arg10[%select_n3A_643, %dma_start3A_645, %dma_start3A_646] : memref<2x24x4096xi32, #tpu.memory_space<vmem_shared>> -> memref<1x1x4096xi32, #tpu.memory_space<vmem_shared>>
        %dma_start3A_648 = tpu.memref_squeeze %dma_start3A_647 : memref<1x1x4096xi32, #tpu.memory_space<vmem_shared>> -> memref<4096xi32, #tpu.memory_space<vmem_shared>>
        %dma_start3A_649 = arith.constant 0 : i32
        %dma_start3A_650 = tpu.memref_slice %arg3[%add3A_625, %dma_start3A_644, %dma_start3A_649] : memref<26x20x4096xi32, #tpu.memory_space<hbm>> -> memref<1x1x4096xi32, #tpu.memory_space<hbm>>
        %dma_start3A_651 = tpu.memref_squeeze %dma_start3A_650 : memref<1x1x4096xi32, #tpu.memory_space<hbm>> -> memref<4096xi32, #tpu.memory_space<hbm>>
        tpu.enqueue_dma source(%dma_start3A_651 : memref<4096xi32, #tpu.memory_space<hbm>>) target(%dma_start3A_648 : memref<4096xi32, #tpu.memory_space<vmem_shared>>) target_semaphore(%arg15 : memref<!tpu.dma_semaphore, #tpu.memory_space<semaphore_mem>>)
      } else {
      }
      %dma_start3A_66 = arith.constant 0 : i32
      %dma_start3A_67 = arith.constant 0 : i32
      %dma_start3A_68 = tpu.memref_slice %arg10[%select_n3A_44, %dma_start3A_66, %dma_start3A_67] : memref<2x24x4096xi32, #tpu.memory_space<vmem_shared>> -> memref<1x1x4096xi32, #tpu.memory_space<vmem_shared>>
      %dma_start3A_69 = tpu.memref_squeeze %dma_start3A_68 : memref<1x1x4096xi32, #tpu.memory_space<vmem_shared>> -> memref<4096xi32, #tpu.memory_space<vmem_shared>>
      %dma_start3A_70 = arith.constant 0 : i32
      %dma_start3A_71 = tpu.memref_slice %arg10[%select_n3A_44, %dma_start3A_66, %dma_start3A_70] : memref<2x24x4096xi32, #tpu.memory_space<vmem_shared>> -> memref<1x1x4096xi32, #tpu.memory_space<vmem_shared>>
      %dma_start3A_72 = tpu.memref_squeeze %dma_start3A_71 : memref<1x1x4096xi32, #tpu.memory_space<vmem_shared>> -> memref<4096xi32, #tpu.memory_space<vmem_shared>>
      tpu.enqueue_dma source(%dma_start3A_72 : memref<4096xi32, #tpu.memory_space<vmem_shared>>) target(%arg6 : memref<4096xi32, #tpu.memory_space<vmem>>) target_semaphore(%arg11 : memref<!tpu.dma_semaphore, #tpu.memory_space<semaphore_mem>>)
      %dma_start3A_73 = arith.constant 1 : i32
      %dma_start3A_74 = arith.constant 0 : i32
      %dma_start3A_75 = tpu.memref_slice %arg10[%select_n3A_44, %dma_start3A_73, %dma_start3A_74] : memref<2x24x4096xi32, #tpu.memory_space<vmem_shared>> -> memref<1x1x4096xi32, #tpu.memory_space<vmem_shared>>
      %dma_start3A_76 = tpu.memref_squeeze %dma_start3A_75 : memref<1x1x4096xi32, #tpu.memory_space<vmem_shared>> -> memref<4096xi32, #tpu.memory_space<vmem_shared>>
      %dma_start3A_77 = arith.constant 0 : i32
      %dma_start3A_78 = tpu.memref_slice %arg10[%select_n3A_44, %dma_start3A_73, %dma_start3A_77] : memref<2x24x4096xi32, #tpu.memory_space<vmem_shared>> -> memref<1x1x4096xi32, #tpu.memory_space<vmem_shared>>
      %dma_start3A_79 = tpu.memref_squeeze %dma_start3A_78 : memref<1x1x4096xi32, #tpu.memory_space<vmem_shared>> -> memref<4096xi32, #tpu.memory_space<vmem_shared>>
      tpu.enqueue_dma source(%dma_start3A_79 : memref<4096xi32, #tpu.memory_space<vmem_shared>>) target(%arg7 : memref<4096xi32, #tpu.memory_space<vmem>>) target_semaphore(%arg12 : memref<!tpu.dma_semaphore, #tpu.memory_space<semaphore_mem>>)
      %dma_wait3A_80 = arith.constant 0 : i32
      %dma_wait3A_81 = tpu.memref_slice %arg2[%scan3A_34, %add3A, %dma_wait3A_80] : memref<26x32x100000xf32, #tpu.memory_space<hbm>> -> memref<1x1x100000xf32, #tpu.memory_space<hbm>>
      %dma_wait3A_82 = tpu.memref_squeeze %dma_wait3A_81 : memref<1x1x100000xf32, #tpu.memory_space<hbm>> -> memref<100000xf32, #tpu.memory_space<hbm>>
      %dma_wait3A_83 = arith.constant 0 : i32
      %dma_wait3A_84 = tpu.memref_slice %arg2[%scan3A_34, %add3A, %dma_wait3A_83] : memref<26x32x100000xf32, #tpu.memory_space<hbm>> -> memref<1x1x100000xf32, #tpu.memory_space<hbm>>
      %dma_wait3A_85 = tpu.memref_squeeze %dma_wait3A_84 : memref<1x1x100000xf32, #tpu.memory_space<hbm>> -> memref<100000xf32, #tpu.memory_space<hbm>>
      tpu.wait_dma2 semaphore(%arg16 : memref<!tpu.dma_semaphore, #tpu.memory_space<semaphore_mem>>) src(%dma_wait3A_85 : memref<100000xf32, #tpu.memory_space<hbm>>) dst(%arg5 : memref<100000xf32, #tpu.memory_space<vmem>>)
      %scan3A_86 = arith.constant 0 : i32
      %scan3A_87 = arith.constant 0 : i32
      %scan3A_88 = arith.constant 10 : i32
      %scan3A_89 = arith.addi %scan3A_87, %scan3A_88 : i32
      %scan3A_90 = arith.constant 1 : i32
      scf.for %scan3A_92 = %scan3A_87 to %scan3A_89 step %scan3A_90  : i32 {
        %mul3A_93 = arith.constant 2 : i32
        %mul3A_94 = arith.muli %mul3A_93, %scan3A_92 : i32
        %dma_wait3A_95 = arith.constant 0 : i32
        %dma_wait3A_96 = tpu.memref_slice %arg10[%select_n3A_44, %mul3A_94, %dma_wait3A_95] : memref<2x24x4096xi32, #tpu.memory_space<vmem_shared>> -> memref<1x1x4096xi32, #tpu.memory_space<vmem_shared>>
        %dma_wait3A_97 = tpu.memref_squeeze %dma_wait3A_96 : memref<1x1x4096xi32, #tpu.memory_space<vmem_shared>> -> memref<4096xi32, #tpu.memory_space<vmem_shared>>
        %dma_wait3A_98 = arith.constant 0 : i32
        %dma_wait3A_99 = tpu.memref_slice %arg10[%select_n3A_44, %mul3A_94, %dma_wait3A_98] : memref<2x24x4096xi32, #tpu.memory_space<vmem_shared>> -> memref<1x1x4096xi32, #tpu.memory_space<vmem_shared>>
        %dma_wait3A_100 = tpu.memref_squeeze %dma_wait3A_99 : memref<1x1x4096xi32, #tpu.memory_space<vmem_shared>> -> memref<4096xi32, #tpu.memory_space<vmem_shared>>
        tpu.wait_dma2 semaphore(%arg11 : memref<!tpu.dma_semaphore, #tpu.memory_space<semaphore_mem>>) src(%dma_wait3A_100 : memref<4096xi32, #tpu.memory_space<vmem_shared>>) dst(%arg6 : memref<4096xi32, #tpu.memory_space<vmem>>)
        %mul3A_101 = arith.constant 32 : i32
        %mul3A_102 = arith.muli %scan3A_34, %mul3A_101 : i32
        %add3A_103 = arith.addi %mul3A_102, %add3A : i32
        %dma_wait3A_104 = arith.constant 0 : i32
        %dma_wait3A_105 = tpu.memref_slice %arg4[%mul3A_94, %add3A_103, %dma_wait3A_104] : memref<20x832x4096xf32, #tpu.memory_space<hbm>> -> memref<1x1x4096xf32, #tpu.memory_space<hbm>>
        %dma_wait3A_106 = tpu.memref_squeeze %dma_wait3A_105 : memref<1x1x4096xf32, #tpu.memory_space<hbm>> -> memref<4096xf32, #tpu.memory_space<hbm>>
        %dma_wait3A_107 = arith.constant 0 : i32
        %dma_wait3A_108 = tpu.memref_slice %arg4[%mul3A_94, %add3A_103, %dma_wait3A_107] : memref<20x832x4096xf32, #tpu.memory_space<hbm>> -> memref<1x1x4096xf32, #tpu.memory_space<hbm>>
        %dma_wait3A_109 = tpu.memref_squeeze %dma_wait3A_108 : memref<1x1x4096xf32, #tpu.memory_space<hbm>> -> memref<4096xf32, #tpu.memory_space<hbm>>
        tpu.wait_dma2 semaphore(%arg13 : memref<!tpu.dma_semaphore, #tpu.memory_space<semaphore_mem>>) src(%arg8 : memref<4096xf32, #tpu.memory_space<vmem>>) dst(%dma_wait3A_109 : memref<4096xf32, #tpu.memory_space<hbm>>)
        %parallel_loop3A = arith.constant 0 : i32
        %parallel_loop3A_110 = arith.constant 256 : i32
        %parallel_loop3A_111 = arith.constant 1 : i32
        scf.for %parallel_loop3A_166 = %parallel_loop3A to %parallel_loop3A_110 step %parallel_loop3A_111  : i32 {
          %parallel_loop3A_167 = arith.constant 16 : i32
          %parallel_loop3A_168 = arith.muli %parallel_loop3A_166, %parallel_loop3A_167 : i32
          %parallel_loop3A_169 = arith.index_cast %parallel_loop3A_168 : i32 to index
          %parallel_loop3A_170 = tpu.vector_load %arg6[%parallel_loop3A_169] {strides = array<i32>} : memref<4096xi32, #tpu.memory_space<vmem>>, vector<16xi32>,
          %parallel_loop3A_171 = tpu.vector_load_idx %arg5[%parallel_loop3A_170] : memref<100000xf32, #tpu.memory_space<vmem>>[vector<16xi32>], vector<16xf32>,
          %parallel_loop3A_172 = arith.index_cast %parallel_loop3A_168 : i32 to index
          %parallel_loop3A_173 = tpu.vector_load %arg8[%parallel_loop3A_172] {strides = array<i32>} : memref<4096xf32, #tpu.memory_space<vmem>>, vector<16xf32>,
          tpu.vector_store %arg8[%parallel_loop3A_172], %parallel_loop3A_171 {strides = array<i32>} : memref<4096xf32, #tpu.memory_space<vmem>>, vector<16xf32>,
        } {sc.loop_unroll_factor = 16 : i64, sc.parallel_access}
        %mul3A_112 = arith.constant 32 : i32
        %mul3A_113 = arith.muli %scan3A_34, %mul3A_112 : i32
        %add3A_114 = arith.addi %mul3A_113, %add3A : i32
        %dma_start3A_115 = arith.constant 0 : i32
        %dma_start3A_116 = tpu.memref_slice %arg4[%mul3A_94, %add3A_114, %dma_start3A_115] : memref<20x832x4096xf32, #tpu.memory_space<hbm>> -> memref<1x1x4096xf32, #tpu.memory_space<hbm>>
        %dma_start3A_117 = tpu.memref_squeeze %dma_start3A_116 : memref<1x1x4096xf32, #tpu.memory_space<hbm>> -> memref<4096xf32, #tpu.memory_space<hbm>>
        %dma_start3A_118 = arith.constant 0 : i32
        %dma_start3A_119 = tpu.memref_slice %arg4[%mul3A_94, %add3A_114, %dma_start3A_118] : memref<20x832x4096xf32, #tpu.memory_space<hbm>> -> memref<1x1x4096xf32, #tpu.memory_space<hbm>>
        %dma_start3A_120 = tpu.memref_squeeze %dma_start3A_119 : memref<1x1x4096xf32, #tpu.memory_space<hbm>> -> memref<4096xf32, #tpu.memory_space<hbm>>
        tpu.enqueue_dma source(%arg8 : memref<4096xf32, #tpu.memory_space<vmem>>) target(%dma_start3A_120 : memref<4096xf32, #tpu.memory_space<hbm>>) target_semaphore(%arg13 : memref<!tpu.dma_semaphore, #tpu.memory_space<semaphore_mem>>)
        %add3A_121 = arith.constant 2 : i32
        %add3A_122 = arith.addi %mul3A_94, %add3A_121 : i32
        %lt3A_123 = arith.constant 20 : i32
        %lt3A_124 = arith.cmpi slt, %add3A_122, %lt3A_123 : i32
        %convert_element_type3A_125 = arith.extui %lt3A_124 : i1 to i32
        %cond3A_126 = arith.constant 0 : i32
        %cond3A_127 = arith.cmpi ne, %convert_element_type3A_125, %cond3A_126 : i32
        scf.if %cond3A_127 {
          %add3A_166 = arith.constant 2 : i32
          %add3A_167 = arith.addi %mul3A_94, %add3A_166 : i32
          %dma_start3A_168 = arith.constant 0 : i32
          %dma_start3A_169 = tpu.memref_slice %arg10[%select_n3A_44, %add3A_167, %dma_start3A_168] : memref<2x24x4096xi32, #tpu.memory_space<vmem_shared>> -> memref<1x1x4096xi32, #tpu.memory_space<vmem_shared>>
          %dma_start3A_170 = tpu.memref_squeeze %dma_start3A_169 : memref<1x1x4096xi32, #tpu.memory_space<vmem_shared>> -> memref<4096xi32, #tpu.memory_space<vmem_shared>>
          %dma_start3A_171 = arith.constant 0 : i32
          %dma_start3A_172 = tpu.memref_slice %arg10[%select_n3A_44, %add3A_167, %dma_start3A_171] : memref<2x24x4096xi32, #tpu.memory_space<vmem_shared>> -> memref<1x1x4096xi32, #tpu.memory_space<vmem_shared>>
          %dma_start3A_173 = tpu.memref_squeeze %dma_start3A_172 : memref<1x1x4096xi32, #tpu.memory_space<vmem_shared>> -> memref<4096xi32, #tpu.memory_space<vmem_shared>>
          tpu.enqueue_dma source(%dma_start3A_173 : memref<4096xi32, #tpu.memory_space<vmem_shared>>) target(%arg6 : memref<4096xi32, #tpu.memory_space<vmem>>) target_semaphore(%arg11 : memref<!tpu.dma_semaphore, #tpu.memory_space<semaphore_mem>>)
        } else {
        }
        %mul3A_128 = arith.constant 2 : i32
        %mul3A_129 = arith.muli %mul3A_128, %scan3A_92 : i32
        %add3A_130 = arith.constant 1 : i32
        %add3A_131 = arith.addi %mul3A_129, %add3A_130 : i32
        %dma_wait3A_132 = arith.constant 0 : i32
        %dma_wait3A_133 = tpu.memref_slice %arg10[%select_n3A_44, %add3A_131, %dma_wait3A_132] : memref<2x24x4096xi32, #tpu.memory_space<vmem_shared>> -> memref<1x1x4096xi32, #tpu.memory_space<vmem_shared>>
        %dma_wait3A_134 = tpu.memref_squeeze %dma_wait3A_133 : memref<1x1x4096xi32, #tpu.memory_space<vmem_shared>> -> memref<4096xi32, #tpu.memory_space<vmem_shared>>
        %dma_wait3A_135 = arith.constant 0 : i32
        %dma_wait3A_136 = tpu.memref_slice %arg10[%select_n3A_44, %add3A_131, %dma_wait3A_135] : memref<2x24x4096xi32, #tpu.memory_space<vmem_shared>> -> memref<1x1x4096xi32, #tpu.memory_space<vmem_shared>>
        %dma_wait3A_137 = tpu.memref_squeeze %dma_wait3A_136 : memref<1x1x4096xi32, #tpu.memory_space<vmem_shared>> -> memref<4096xi32, #tpu.memory_space<vmem_shared>>
        tpu.wait_dma2 semaphore(%arg12 : memref<!tpu.dma_semaphore, #tpu.memory_space<semaphore_mem>>) src(%dma_wait3A_137 : memref<4096xi32, #tpu.memory_space<vmem_shared>>) dst(%arg7 : memref<4096xi32, #tpu.memory_space<vmem>>)
        %mul3A_138 = arith.constant 32 : i32
        %mul3A_139 = arith.muli %scan3A_34, %mul3A_138 : i32
        %add3A_140 = arith.addi %mul3A_139, %add3A : i32
        %dma_wait3A_141 = arith.constant 0 : i32
        %dma_wait3A_142 = tpu.memref_slice %arg4[%add3A_131, %add3A_140, %dma_wait3A_141] : memref<20x832x4096xf32, #tpu.memory_space<hbm>> -> memref<1x1x4096xf32, #tpu.memory_space<hbm>>
        %dma_wait3A_143 = tpu.memref_squeeze %dma_wait3A_142 : memref<1x1x4096xf32, #tpu.memory_space<hbm>> -> memref<4096xf32, #tpu.memory_space<hbm>>
        %dma_wait3A_144 = arith.constant 0 : i32
        %dma_wait3A_145 = tpu.memref_slice %arg4[%add3A_131, %add3A_140, %dma_wait3A_144] : memref<20x832x4096xf32, #tpu.memory_space<hbm>> -> memref<1x1x4096xf32, #tpu.memory_space<hbm>>
        %dma_wait3A_146 = tpu.memref_squeeze %dma_wait3A_145 : memref<1x1x4096xf32, #tpu.memory_space<hbm>> -> memref<4096xf32, #tpu.memory_space<hbm>>
        tpu.wait_dma2 semaphore(%arg14 : memref<!tpu.dma_semaphore, #tpu.memory_space<semaphore_mem>>) src(%arg9 : memref<4096xf32, #tpu.memory_space<vmem>>) dst(%dma_wait3A_146 : memref<4096xf32, #tpu.memory_space<hbm>>)
        %parallel_loop3A_147 = arith.constant 0 : i32
        %parallel_loop3A_148 = arith.constant 256 : i32
        %parallel_loop3A_149 = arith.constant 1 : i32
        scf.for %parallel_loop3A_166 = %parallel_loop3A_147 to %parallel_loop3A_148 step %parallel_loop3A_149  : i32 {
          %parallel_loop3A_167 = arith.constant 16 : i32
          %parallel_loop3A_168 = arith.muli %parallel_loop3A_166, %parallel_loop3A_167 : i32
          %parallel_loop3A_169 = arith.index_cast %parallel_loop3A_168 : i32 to index
          %parallel_loop3A_170 = tpu.vector_load %arg7[%parallel_loop3A_169] {strides = array<i32>} : memref<4096xi32, #tpu.memory_space<vmem>>, vector<16xi32>,
          %parallel_loop3A_171 = tpu.vector_load_idx %arg5[%parallel_loop3A_170] : memref<100000xf32, #tpu.memory_space<vmem>>[vector<16xi32>], vector<16xf32>,
          %parallel_loop3A_172 = arith.index_cast %parallel_loop3A_168 : i32 to index
          %parallel_loop3A_173 = tpu.vector_load %arg9[%parallel_loop3A_172] {strides = array<i32>} : memref<4096xf32, #tpu.memory_space<vmem>>, vector<16xf32>,
          tpu.vector_store %arg9[%parallel_loop3A_172], %parallel_loop3A_171 {strides = array<i32>} : memref<4096xf32, #tpu.memory_space<vmem>>, vector<16xf32>,
        } {sc.loop_unroll_factor = 16 : i64, sc.parallel_access}
        %mul3A_150 = arith.constant 32 : i32
        %mul3A_151 = arith.muli %scan3A_34, %mul3A_150 : i32
        %add3A_152 = arith.addi %mul3A_151, %add3A : i32
        %dma_start3A_153 = arith.constant 0 : i32
        %dma_start3A_154 = tpu.memref_slice %arg4[%add3A_131, %add3A_152, %dma_start3A_153] : memref<20x832x4096xf32, #tpu.memory_space<hbm>> -> memref<1x1x4096xf32, #tpu.memory_space<hbm>>
        %dma_start3A_155 = tpu.memref_squeeze %dma_start3A_154 : memref<1x1x4096xf32, #tpu.memory_space<hbm>> -> memref<4096xf32, #tpu.memory_space<hbm>>
        %dma_start3A_156 = arith.constant 0 : i32
        %dma_start3A_157 = tpu.memref_slice %arg4[%add3A_131, %add3A_152, %dma_start3A_156] : memref<20x832x4096xf32, #tpu.memory_space<hbm>> -> memref<1x1x4096xf32, #tpu.memory_space<hbm>>
        %dma_start3A_158 = tpu.memref_squeeze %dma_start3A_157 : memref<1x1x4096xf32, #tpu.memory_space<hbm>> -> memref<4096xf32, #tpu.memory_space<hbm>>
        tpu.enqueue_dma source(%arg9 : memref<4096xf32, #tpu.memory_space<vmem>>) target(%dma_start3A_158 : memref<4096xf32, #tpu.memory_space<hbm>>) target_semaphore(%arg14 : memref<!tpu.dma_semaphore, #tpu.memory_space<semaphore_mem>>)
        %add3A_159 = arith.constant 2 : i32
        %add3A_160 = arith.addi %add3A_131, %add3A_159 : i32
        %lt3A_161 = arith.constant 20 : i32
        %lt3A_162 = arith.cmpi slt, %add3A_160, %lt3A_161 : i32
        %convert_element_type3A_163 = arith.extui %lt3A_162 : i1 to i32
        %cond3A_164 = arith.constant 0 : i32
        %cond3A_165 = arith.cmpi ne, %convert_element_type3A_163, %cond3A_164 : i32
        scf.if %cond3A_165 {
          %add3A_166 = arith.constant 2 : i32
          %add3A_167 = arith.addi %add3A_131, %add3A_166 : i32
          %dma_start3A_168 = arith.constant 0 : i32
          %dma_start3A_169 = tpu.memref_slice %arg10[%select_n3A_44, %add3A_167, %dma_start3A_168] : memref<2x24x4096xi32, #tpu.memory_space<vmem_shared>> -> memref<1x1x4096xi32, #tpu.memory_space<vmem_shared>>
          %dma_start3A_170 = tpu.memref_squeeze %dma_start3A_169 : memref<1x1x4096xi32, #tpu.memory_space<vmem_shared>> -> memref<4096xi32, #tpu.memory_space<vmem_shared>>
          %dma_start3A_171 = arith.constant 0 : i32
          %dma_start3A_172 = tpu.memref_slice %arg10[%select_n3A_44, %add3A_167, %dma_start3A_171] : memref<2x24x4096xi32, #tpu.memory_space<vmem_shared>> -> memref<1x1x4096xi32, #tpu.memory_space<vmem_shared>>
          %dma_start3A_173 = tpu.memref_squeeze %dma_start3A_172 : memref<1x1x4096xi32, #tpu.memory_space<vmem_shared>> -> memref<4096xi32, #tpu.memory_space<vmem_shared>>
          tpu.enqueue_dma source(%dma_start3A_173 : memref<4096xi32, #tpu.memory_space<vmem_shared>>) target(%arg7 : memref<4096xi32, #tpu.memory_space<vmem>>) target_semaphore(%arg12 : memref<!tpu.dma_semaphore, #tpu.memory_space<semaphore_mem>>)
        } else {
        }
      }
      %scan3A_91 = arith.constant 10 : i32
    }
    %scan3A_20 = arith.constant 26 : i32
    %dma_wait3A = arith.constant 0 : i32
    %dma_wait3A_21 = arith.constant 0 : i32
    %dma_wait3A_22 = tpu.memref_slice %arg4[%dma_wait3A, %add3A, %dma_wait3A_21] : memref<20x832x4096xf32, #tpu.memory_space<hbm>> -> memref<1x1x4096xf32, #tpu.memory_space<hbm>>
    %dma_wait3A_23 = tpu.memref_squeeze %dma_wait3A_22 : memref<1x1x4096xf32, #tpu.memory_space<hbm>> -> memref<4096xf32, #tpu.memory_space<hbm>>
    %dma_wait3A_24 = arith.constant 0 : i32
    %dma_wait3A_25 = tpu.memref_slice %arg4[%dma_wait3A, %add3A, %dma_wait3A_24] : memref<20x832x4096xf32, #tpu.memory_space<hbm>> -> memref<1x1x4096xf32, #tpu.memory_space<hbm>>
    %dma_wait3A_26 = tpu.memref_squeeze %dma_wait3A_25 : memref<1x1x4096xf32, #tpu.memory_space<hbm>> -> memref<4096xf32, #tpu.memory_space<hbm>>
    tpu.wait_dma2 semaphore(%arg13 : memref<!tpu.dma_semaphore, #tpu.memory_space<semaphore_mem>>) src(%arg8 : memref<4096xf32, #tpu.memory_space<vmem>>) dst(%dma_wait3A_26 : memref<4096xf32, #tpu.memory_space<hbm>>)
    %dma_wait3A_27 = arith.constant 0 : i32
    %dma_wait3A_28 = arith.constant 0 : i32
    %dma_wait3A_29 = tpu.memref_slice %arg4[%dma_wait3A_27, %add3A, %dma_wait3A_28] : memref<20x832x4096xf32, #tpu.memory_space<hbm>> -> memref<1x1x4096xf32, #tpu.memory_space<hbm>>
    %dma_wait3A_30 = tpu.memref_squeeze %dma_wait3A_29 : memref<1x1x4096xf32, #tpu.memory_space<hbm>> -> memref<4096xf32, #tpu.memory_space<hbm>>
    %dma_wait3A_31 = arith.constant 0 : i32
    %dma_wait3A_32 = tpu.memref_slice %arg4[%dma_wait3A_27, %add3A, %dma_wait3A_31] : memref<20x832x4096xf32, #tpu.memory_space<hbm>> -> memref<1x1x4096xf32, #tpu.memory_space<hbm>>
    %dma_wait3A_33 = tpu.memref_squeeze %dma_wait3A_32 : memref<1x1x4096xf32, #tpu.memory_space<hbm>> -> memref<4096xf32, #tpu.memory_space<hbm>>
    tpu.wait_dma2 semaphore(%arg14 : memref<!tpu.dma_semaphore, #tpu.memory_space<semaphore_mem>>) src(%arg9 : memref<4096xf32, #tpu.memory_space<vmem>>) dst(%dma_wait3A_33 : memref<4096xf32, #tpu.memory_space<hbm>>)
    return
  }
}

</mosaic_0001>

<sc_bundles>
// kernel: kernel.3.cloned.1.call-start
scs
__scs_entry_jumppad:
0x0: {  	(pc) =	sbr.rel $0x88, $3  }
0x1: {  	(tag) =	ssettag $0x0;
	lr =	simm.s32 $0x1  }
0x2: {  	[smem:$0x3F9F] =	sst lr;
	_ =	strace $0xD0000000  }
0x3: {  	_ = 	snop  }
0x4: {  	_ = 	snop  }
0x5: {  	_ = 	snop  }
0x6: {  	_ = 	snop  }
0x7: {  	_ = 	snop  }
__scs_overlays_trampoline_lowered:
0x8: {  	[smem:$0x3FAE] =	sst s0  }
0x9: {  	[smem:$0x3FAF] =	sst s1  }
0xa: {  	[smem:$0x3FB0] =	sst s2  }
0xb: {  	[smem:$0x3FB1] =	sst s3  }
0xc: {  	[smem:$0x3FB2] =	sst s4  }
0xd: {  	[smem:$0x3FB3] =	sst s5  }
0xe: {  	[smem:$0x3FB4] =	sst s6  }
0xf: {  	[smem:$0x3FB5] =	sst s7  }
0x10: {  	[smem:$0x3FB6] =	sst s8  }
0x11: {  	[smem:$0x3FB7] =	sst s9;
	s0 =	simm.s32 @!p0 $0x0  }
0x12: {  	s1 =	sld [smem:$0x3F9D];
	s0 =	simm.s32 @p0 $0x1  }
0x13: {  	[smem:$0x3FB8] =	sst s0;
	s0 =	simm.s32 @!p1 $0x0  }
0x14: {  	s2 =	sld [smem:$0x3F9C];
	s0 =	simm.s32 @p1 $0x1  }
0x15: {  	[smem:$0x3FB9] =	sst s0;
	s0 =	simm.s32 @!p2 $0x0  }
0x16: {  	s3 =	sld [smem:$0x3FDB];
	s0 =	simm.s32 @p2 $0x1  }
0x17: {  	s4 =	simm.s32 $0x1BF5;
	[smem:$0x3FBB] =	sst s0  }
0x18: {  	s0 =	sld [smem:$0x3F9E];
	_ =	swait.ge [sflag:s4], $0x0  }
0x19: {  	s7 =	sld [smem:$0x3F9F]  }
0x1a: {  	s8 =	sadd.s32 $0xFFFFE003, lr  }
0x1b: {  	s9 =	sadd.s32 $0xFFFFFEF7, lr;
	s5 =	simm.s32 $0xFFFFFFFF;
	p2 =	slt.u32 s8, $0xFFFFF086  }
0x1c: {  	p1 =	slt.u32 s9, $0xF7A;
	s5 =	simm.s32 @!p2 $0x0  }
0x1d: {  	s5 =	simm.s32 @p1 $0x1;
	p0 =	seq.s32 s7, s2  }
0x1e: {  	s7 =	smul.u32 @!p0 $0xF7A, s2;
	p2 =	seq.s32 @!p0 s5, $0x0  }
0x1f: {  	s9 =	smul.u32 $0xF7A, s1;
	s8 =	simm.s32 @!p0 $0x1BF5;
	p2 =	por !p2, p0  }
0x20: {  	[sflag:s8] =	ssyncset.s32 @!p0 $0xFFFFF086;
	s6 =	sadd.s32 @!p0 s3, s7;
	s7 =	simm.s32 @!p0 $0x108  }
0x21: {  	s3 =	sadd.s32 s3, s9;
	s6 =	sadd.s32 @!p0 $0x88, s6;
	s7 =	simm.s32 @p2 $0x1082  }
0x22: {  	[simem:s7], [sflag:s8] =	dma.local @!p0 [hbm:s6], $0xF7A  }
0x23: {  	s9 =	sor.u32 $0xD0000000, s2;
	s6 =	simm.s32 $0x108;
	_ =	swait.ge @!p0 [sflag:s8], $0x0  }
0x24: {  	s3 =	sadd.s32 $0x88, s3;
	s6 =	simm.s32 @!p1 $0x1082;
	[sflag:s4] =	ssyncset.s32 $0xFFFFF086  }
0x25: {  	[simem:s6], [sflag:s4] =	dma.local [hbm:s3], $0xF7A  }
0x26: {  	[smem:$0x3F9F] =	sst s1;
	(tag) =	ssettag s2;
	_ =	strace s9  }
0x27: {  	s1 =	sld [smem:$0x3FAF]  }
0x28: {  	s2 =	sld [smem:$0x3FB0]  }
0x29: {  	s4 =	sld [smem:$0x3FB2]  }
0x2a: {  	p0 =	seq.s32 s5, $0x0;
	s5 =	sld [smem:$0x3FB3]  }
0x2b: {  	s6 =	sld [smem:$0x3FB4]  }
0x2c: {  	s7 =	sld [smem:$0x3FB5]  }
0x2d: {  	s3 =	simm.s32 $0x108;
	s8 =	sld [smem:$0x3FB6]  }
0x2e: {  	s3 =	simm.s32 @!p0 $0x1082;
	s9 =	sld [smem:$0x3FB7]  }
0x2f: {  	lr =	sadd.s32 s0, s3;
	s0 =	sld [smem:$0x3FAE]  }
0x30: {  	s3 =	sld [smem:$0x3FB1]  }
0x31: {  	[smem:$0x3FBA] =	sst s10  }
0x32: {  	s10 =	sld [smem:$0x3FB8];
	_ =	sdelay $0x3  }
0x33: {  	p0 =	seq.s32 s10, $0x1;
	s10 =	sld [smem:$0x3FBA];
	_ =	sdelay $0x3  }
0x34: {  	[smem:$0x3FBA] =	sst s10  }
0x35: {  	s10 =	sld [smem:$0x3FB9];
	_ =	sdelay $0x3  }
0x36: {  	p1 =	seq.s32 s10, $0x1;
	s10 =	sld [smem:$0x3FBA];
	_ =	sdelay $0x3  }
0x37: {  	[smem:$0x3FBA] =	sst s10  }
0x38: {  	s10 =	sld [smem:$0x3FBB]  }
0x39: {  	_ = 	snop;
	(pc) =	sbr.ind lr, $3  }
0x3a: {  	_ = 	snop  }
0x3b: {  	_ = 	snop  }
0x3c: {  	p2 =	seq.s32 s10, $0x1;
	s10 =	sld [smem:$0x3FBA]  }
0x3d: {  	_ =	shalt  }
0x3e: {  	_ =	shalt  }
0x3f: {  	_ =	shalt  }
0x40: {  	_ =	shalt  }
0x41: {  	_ =	shalt  }
0x42: {  	_ =	shalt  }
0x43: {  	_ =	shalt  }
0x44: {  	_ =	shalt  }
0x45: {  	_ =	shalt  }
0x46: {  	_ =	shalt  }
0x47: {  	_ =	shalt  }
0x48: {  	_ =	shalt  }
0x49: {  	_ =	shalt  }
0x4a: {  	_ =	shalt  }
0x4b: {  	_ =	shalt  }
0x4c: {  	_ =	shalt  }
0x4d: {  	_ =	shalt  }
0x4e: {  	_ =	shalt  }
0x4f: {  	_ =	shalt  }
0x50: {  	_ =	shalt  }
0x51: {  	_ =	shalt  }
0x52: {  	_ =	shalt  }
0x53: {  	_ =	shalt  }
0x54: {  	_ =	shalt  }
0x55: {  	_ =	shalt  }
0x56: {  	_ =	shalt  }
0x57: {  	_ =	shalt  }
0x58: {  	_ =	shalt  }
0x59: {  	_ =	shalt  }
0x5a: {  	_ =	shalt  }
0x5b: {  	_ =	shalt  }
0x5c: {  	_ =	shalt  }
0x5d: {  	_ =	shalt  }
0x5e: {  	_ =	shalt  }
0x5f: {  	_ =	shalt  }
0x60: {  	_ =	shalt  }
0x61: {  	_ =	shalt  }
0x62: {  	_ =	shalt  }
0x63: {  	_ =	shalt  }
0x64: {  	_ =	shalt  }
0x65: {  	_ =	shalt  }
0x66: {  	_ =	shalt  }
0x67: {  	_ =	shalt  }
0x68: {  	_ =	shalt  }
0x69: {  	_ =	shalt  }
0x6a: {  	_ =	shalt  }
0x6b: {  	_ =	shalt  }
0x6c: {  	_ =	shalt  }
0x6d: {  	_ =	shalt  }
0x6e: {  	_ =	shalt  }
0x6f: {  	_ =	shalt  }
0x70: {  	_ =	shalt  }
0x71: {  	_ =	shalt  }
0x72: {  	_ =	shalt  }
0x73: {  	_ =	shalt  }
0x74: {  	_ =	shalt  }
0x75: {  	_ =	shalt  }
0x76: {  	_ =	shalt  }
0x77: {  	_ =	shalt  }
0x78: {  	_ =	shalt  }
0x79: {  	_ =	shalt  }
0x7a: {  	_ =	shalt  }
0x7b: {  	_ =	shalt  }
0x7c: {  	_ =	shalt  }
0x7d: {  	_ =	shalt  }
0x7e: {  	_ =	shalt  }
0x7f: {  	_ =	shalt  }
0x80: {  	_ =	shalt  }
0x81: {  	_ =	shalt  }
0x82: {  	_ =	shalt  }
0x83: {  	_ =	shalt  }
0x84: {  	_ =	shalt  }
0x85: {  	_ =	shalt  }
0x86: {  	_ =	shalt  }
0x87: {  	_ =	shalt  }
.Lfunc_end0:
.L_simem_size_0:
called_computation_lowered:
.L_overlay_start_0:
0x88: {  	s2 =	sld [smem:$0x3FD9]  }
0x89: {  	s3 =	sld [smem:$0x3FFE];
	_ =	sdelay $0x1  }
0x8a: {  	s1 =	srdreg.scid  }
0x8b: {  	s0 =	sand.u32 $0x1, s1  }
0x8c: {  	s18 =	sshll.u32 s0, $0xA;
	s2 =	sadd.s32 s3, s2  }
0x8d: {  	s2 =	sadd.s32 s2, s18  }
0x8e: {  	[smem:$0x3FC6] =	sst s2  }
0x8f: {  	_ = 	snop  }
0x90: {  	s2 =	sld [smem:$0x3FC9]  }
0x91: {  	s19 =	sld [smem:$0x3FC8]  }
0x92: {  	s4 =	sld [smem:$0x3FD0];
	(tm) =	ssettm $0x1  }
0x93: {  	s5 =	sld [smem:$0x3FFB];
	_ =	sdelay $0x3  }
0x94: {  	_ =	strace s5  }
0x95: {  	s5 =	sld [smem:$0x3FFC];
	_ =	sdelay $0x3  }
0x96: {  	_ =	strace s5  }
0x97: {  	s5 =	sld [smem:$0x3FFD];
	_ =	sdelay $0x3  }
0x98: {  	_ =	strace s5  }
0x99: {  	_ =	strace $0x8FFFFFFF  }
0x9a: {  	s20 =	sld [smem:$0x3FDB];
	_ =	sdelay $0x1  }
0x9b: {  	s6 =	simm.s32 $_scs_section_size  }
0x9c: {  	s7 =	simm.s32 $_size__tile_overlayer_lowered;
	s8 =	simm.s32 $_tile_overlayer_lowered  }
0x9d: {  	s23 =	simm.s32 $0x1BFF;
	s22 =	sshll.u32 s8, $0x1;
	s5 =	sadd.s32 s6, s20  }
0x9e: {  	s9 =	simm.s32 $0x0;
	s21 =	sshll.u32 s7, $0x1;
	s7 =	sadd.s32 s22, s5  }
0x9f: {  	[timem:s9], [sflag:s23] =	dma.local [hbm:s7], s21  }
0xa0: {  	_ =	swait.ge [sflag:s23], s21  }
0xa1: {  	s6 =	ssub.s32 $0x0, s21;
	[sflag:s23] =	ssyncset.done $0x0  }
0xa2: {  	[sflag:s23] =	ssyncadd.s32 s6;
	_ =	sdelay $0x1  }
0xa3: {  	s24 =	simm.s32 $0x1B8B  }
0xa4: {  	_ =	swait.ge [sflag:s24], $0x1  }
0xa5: {  	[sflag:s24] =	ssyncset.done $0x0  }
0xa6: {  	s25 =	simm.s32 $0x1B8E;
	[sflag:s24] =	ssyncadd.s32 $0xFFFFFFFF  }
0xa7: {  	s26 =	simm.s32 $execute0_lowered;
	[smem:$0x3FD2] =	sst s25  }
0xa8: {  	s6 =	sshll.u32 s26, $0x1;
	_ =	strace $0x80000046;
	[dreg:$0x1] =	wrdreg $0xFFFFFFFF  }
0xa9: {  	s28 =	simm.s32 $_size_execute0_lowered;
	s5 =	sadd.s32 s5, s6;
	[dreg:$0x0] =	wrdreg $0x0  }
0xaa: {  	s6 =	sshll.u32 s28, $0x1;
	[dreg:$0x2] =	wrdreg s5  }
0xab: {  	[dreg:$0x3] =	wrdreg s6  }
0xac: {  	[dreg:$0x4] =	wrdreg $0xC0  }
0xad: {  	_ =	task [dreg:s9], $0x5FFFF  }
0xae: {  	[dreg:$0x1] =	wrdreg $0xFFFFFFFF  }
0xaf: {  	[dreg:$0x0] =	wrdreg $0x60  }
0xb0: {  	[dreg:$0x2] =	wrdreg s19  }
0xb1: {  	[dreg:$0x3] =	wrdreg s2  }
0xb2: {  	[dreg:$0x4] =	wrdreg s4  }
0xb3: {  	[dreg:$0x5] =	wrdreg $0x1C7000  }
0xb4: {  	[dreg:$0x6] =	wrdreg $0x9  }
0xb5: {  	_ =	task.clear_ibuf [dreg:s9], $0x7FFFF;
	_ =	strace $0x90000046  }
0xb6: {  	s29 =	simm.s32 $0x9;
	_ =	strace $0x80000048  }
0xb7: {  	_ =	swait.ge [sflag:s29], $0x1  }
0xb8: {  	[sflag:s29] =	ssyncadd.s32 $0xFFFFFFFF  }
0xb9: {  	_ =	strace $0x90000048  }
0xba: {  	_ =	sfence  }
0xbb: {  	s30 =	sld [smem:$0x0];
	_ =	sdelay $0x2  }
0xbc: {  	s31 =	sshll.u32 s1, $0xD;
	s1 =	sshrl.u32 s1, $0x2  }
0xbd: {  	s3 =	sand.u32 $0x4000, s31;
	s1 =	sadd.s32 s1, s30  }
0xbe: {  	s0 =	sor.u32 s3, s0;
	s1 =	sshll.u32 s1, $0x11  }
0xbf: {  	s0 =	sor.u32 s1, s0  }
0xc0: {  	s0 =	sadd.s32 $0x8F2B, s0  }
0xc1: {  	[sflag:s0] =	ssyncadd.remote.s32 $0x1  }
0xc2: {  	_ =	sfence.sel $0xFFFF  }
0xc3: {  	[dreg:$0x0] =	wrdreg $0xFFFFFFFF;
	(pc) =	sbr.abs _section_cstart, $3  }
0xc4: {  	[dreg:$0x1] =	wrdreg $0xFFFFFFFF  }
0xc5: {  	_ =	task.clear_ibuf [dreg:s9], $0x2FFFF;
	_ =	strace $0x9FFFFFFF  }
0xc6: {  	(tm) =	ssettm $0x7FFFFFFF  }
0xc7: {  	_ =	shalt  }
tec
execute0_lowered:
.L_overlay_start_1:
0x0: {  	(tag) =	ssettag $0x1  }
0x1: {  	s1 =	rddreg [dreg:$0x1]  }
0x2: {  	s3 =	rddreg [dreg:$0x2]  }
0x3: {  	s4 =	rddreg [dreg:$0x3]  }
0x4: {  	s0 =	srdreg.scid;
	s2 =	stileid.u32  }
0x5: {  	s5 =	simm.s32 $0x0;
	s0 =	sand.u32 $0x1, s0;
	s6 =	sshll.u32 s2, $0x8  }
0x6: {  	s7 =	sshrl.u32 s2, $0x2;
	[smem:$0x7FF] =	sst s5;
	s10 =	sadd.s32 $0x80, s4  }
0x7: {  	p0 =	sne.s32 s2, $0x0;
	s8 =	sshll.u32 s0, $0x7;
	s0 =	ssub.s32 $0x2, s0  }
0x8: {  	s6 =	sand.u32 $0x300, s6;
	s25 =	sshll.u32 s7, $0xF;
	s9 =	sshrl.u32 s0, $0x1  }
0x9: {  	_ =	strace $0x80000047;
	s6 =	sor.u32 s8, s6;
	s0 =	ssub.s32 s0, s9  }
0xa: {  	s7 =	smul.u32 $0xC3800, s7;
	s8 =	sor.u32 s25, s6;
	s0 =	smax.u32 s0, $0x1  }
0xb: {  	s8 =	sshrl.u32 s8, $0x3;
	[dreg:$0x6] =	wrdreg s0;
	s0 =	sshrl.u32 @!p0 s10, $0x3  }
0xc: {  	s25 =	sadd.s32 s3, s8;
	[dreg:$0x7] =	wrdreg s0  }
0xd: {  	s8 =	sor.u32 s6, s7;
	s7 =	sadd.s32 $0x20, s1;
	[dreg:$0x5] =	wrdreg s25  }
0xe: {  	s11 =	sadd.s32 $0x100, s4;
	s10 =	sadd.s32 $0x30, s1;
	[dreg:$0x1c] =	wrdreg s7  }
0xf: {  	s0 =	sshrl.u32 @!p0 s11, $0x3;
	[dreg:$0x1d] =	wrdreg s10  }
0x10: {  	s26 =	sadd.s32 $0x68000, s25;
	[dreg:$0x8] =	wrdreg s0  }
0x11: {  	s29 =	simm.s32 $0x80;
	s11 =	sadd.s32 $0x40, s1;
	[dreg:$0x1a] =	wrdreg s26  }
0x12: {  	s12 =	sadd.s32 $0x180, s4;
	s25 =	sadd.s32 $0x2020, s1;
	[dreg:$0x1e] =	wrdreg s11  }
0x13: {  	s30 =	simm.s32 $0x400;
	s0 =	sshrl.u32 @!p0 s12, $0x3;
	[smem:$0x7FC] =	sst s25  }
0x14: {  	s31 =	simm.s32 $0x1A700;
	s12 =	sadd.s32 $0x50, s1;
	[dreg:$0x9] =	wrdreg s0  }
0x15: {  	s13 =	sadd.s32 $0x200, s4;
	s26 =	sadd.s32 $0x2030, s1;
	[dreg:$0x1f] =	wrdreg s12  }
0x16: {  	s14 =	sadd.s32 $0x280, s4;
	s0 =	sshrl.u32 @!p0 s13, $0x3;
	[smem:$0x7FD] =	sst s26  }
0x17: {  	s15 =	sadd.s32 $0x300, s4;
	s13 =	sadd.s32 $0x60, s1;
	[dreg:$0xa] =	wrdreg s0  }
0x18: {  	s16 =	sadd.s32 $0x380, s4;
	s0 =	sshrl.u32 @!p0 s14, $0x3;
	[smem:$0x7F0] =	sst s13  }
0x19: {  	s17 =	sadd.s32 $0x8000, s4;
	s14 =	sadd.s32 $0x70, s1;
	[dreg:$0xb] =	wrdreg s0  }
0x1a: {  	s18 =	sadd.s32 $0x8080, s4;
	s0 =	sshrl.u32 @!p0 s15, $0x3;
	[smem:$0x7F1] =	sst s14  }
0x1b: {  	s19 =	sadd.s32 $0x8100, s4;
	s15 =	sadd.s32 $0x1000, s1;
	[dreg:$0xc] =	wrdreg s0  }
0x1c: {  	s20 =	sadd.s32 $0x8180, s4;
	s0 =	sshrl.u32 @!p0 s16, $0x3;
	[smem:$0x7F2] =	sst s15  }
0x1d: {  	s21 =	sadd.s32 $0x8200, s4;
	s16 =	sadd.s32 $0x1010, s1;
	[dreg:$0xd] =	wrdreg s0  }
0x1e: {  	s22 =	sadd.s32 $0x8280, s4;
	s0 =	sshrl.u32 @!p0 s17, $0x3;
	[smem:$0x7F3] =	sst s16  }
0x1f: {  	s23 =	sadd.s32 $0x8300, s4;
	s17 =	sadd.s32 $0x1020, s1;
	[dreg:$0xe] =	wrdreg s0  }
0x20: {  	s24 =	sadd.s32 $0x8380, s4;
	s0 =	sshrl.u32 @!p0 s18, $0x3;
	[smem:$0x7F4] =	sst s17  }
0x21: {  	p1 =	seq.s32 s2, $0x0;
	s18 =	sadd.s32 $0x1030, s1;
	[dreg:$0xf] =	wrdreg s0  }
0x22: {  	s2 =	sshll.u32 s2, $0xD;
	s0 =	sshrl.u32 @!p0 s19, $0x3;
	[smem:$0x7F5] =	sst s18  }
0x23: {  	s9 =	sand.u32 $0x18000, s2;
	s19 =	sadd.s32 $0x1040, s1;
	[dreg:$0x10] =	wrdreg s0  }
0x24: {  	s2 =	sadd.s32 $0x10100, s4;
	s0 =	sshrl.u32 @!p0 s20, $0x3;
	[smem:$0x7F6] =	sst s19  }
0x25: {  	s28 =	sor.u32 $0x340000, s6;
	s20 =	sadd.s32 $0x1050, s1;
	[dreg:$0x11] =	wrdreg s0  }
0x26: {  	s15 =	simm.s32 $0x1B700;
	s0 =	sshrl.u32 @!p0 s21, $0x3;
	[smem:$0x7F7] =	sst s20  }
0x27: {  	s16 =	simm.s32 $0x5;
	s21 =	sadd.s32 $0x1060, s1;
	[dreg:$0x12] =	wrdreg s0  }
0x28: {  	s17 =	simm.s32 $0x1;
	s0 =	sshrl.u32 @!p0 s22, $0x3;
	[smem:$0x7F8] =	sst s21  }
0x29: {  	s18 =	simm.s32 $0x1C05;
	s22 =	sadd.s32 $0x1070, s1;
	[dreg:$0x13] =	wrdreg s0  }
0x2a: {  	s19 =	simm.s32 $0x18700;
	s0 =	sshrl.u32 @!p0 s23, $0x3;
	[smem:$0x7F9] =	sst s22  }
0x2b: {  	s20 =	simm.s32 $0x19700;
	[dreg:$0x14] =	wrdreg s0;
	s0 =	sshrl.u32 @!p0 s24, $0x3  }
0x2c: {  	s23 =	sadd.s32 $0x2000, s1;
	[dreg:$0x15] =	wrdreg s0;
	s0 =	sadd.s32 $0x10000, s4  }
0x2d: {  	s21 =	simm.s32 $0x6;
	[smem:$0x7FA] =	sst s23;
	s0 =	sshrl.u32 @!p0 s0, $0x3  }
0x2e: {  	s24 =	sadd.s32 $0x2010, s1;
	[dreg:$0x16] =	wrdreg s0;
	s0 =	sadd.s32 $0x10080, s4  }
.Ltmp0:
0x2f: {  	[smem:$0x7FB] =	sst s24;
	s0 =	sshrl.u32 @!p0 s0, $0x3;
	(pc) =	sbr.rel .LBB2_1-.Ltmp0, $4  }
0x30: {  	s22 =	simm.s32 $0x3;
	[dreg:$0x17] =	wrdreg s0;
	s0 =	sshrl.u32 @!p0 s2, $0x3  }
0x31: {  	s2 =	sadd.s32 $0x10, s1;
	[dreg:$0x18] =	wrdreg s0;
	s0 =	sadd.s32 $0x10180, s4  }
0x32: {  	s23 =	simm.s32 $0x2;
	[dreg:$0x1b] =	wrdreg s2;
	s0 =	sshrl.u32 @!p0 s0, $0x3  }
0x33: {  	s24 =	simm.s32 $0x4;
	s1 =	simm.s32 $0x0;
	[dreg:$0x19] =	wrdreg s0  }
.LBB2_14:
0x34: {  	_ =	swait.ge [sflag:s22], $0x1000  }
0x35: {  	[sflag:s22] =	ssyncset.done $0x0  }
0x36: {  	[sflag:s22] =	ssyncadd.s32 $0xFFFFF000  }
0x37: {  	_ =	swait.ge [sflag:s24], $0x1000  }
0x38: {  	s1 =	sld [smem:$0x7EF];
	_ =	sdelay $0x2  }
0x39: {  	s0 =	rddreg [dreg:$0x6];
	s1 =	sadd.s32 $0x1, s1  }
0x3a: {  	p2 =	sne.s32 s1, s0  }
.Ltmp1:
0x3b: {  	_ = 	snop;
	(pc) =	sbr.rel @!p2 .LBB2_15-.Ltmp1, $3  }
0x3c: {  	_ =	sdelay $0x1  }
0x3d: {  	[sflag:s24] =	ssyncset.done $0x0  }
0x3e: {  	[sflag:s24] =	ssyncadd.s32 $0xFFFFF000  }
.LBB2_1:
0x3f: {  	[smem:$0x7EF] =	sst s1  }
0x40: {  	s0 =	rddreg [dreg:$0x5]  }
0x41: {  	s26 =	rddreg [dreg:$0x1a];
	s2 =	simm.s32 @!p0 $0x1;
	s7 =	simm.s32 @!p0 $0x80  }
0x42: {  	[hbm4b:s0+s29] =	stream.strided.scatter [tilespmem:s31], [sflag:$0x3], $0x1000, s30, s29, $0x38;
	[tilespmem:$0x1F700] =	vst v63  }
0x43: {  	s10 =	simm.s32 @!p0 $0x1C05;
	s1 =	rddreg [dreg:$0x1];
	s0 =	sshrl.u32 @!p0 s4, $0x3  }
0x44: {  	[hbm4b:s26+s29] =	stream.strided.scatter [tilespmem:s15], [sflag:$0x4], $0x1000, s30, s29, $0x38;
	[tilespmem:$0x1F700] =	vst v63  }
0x45: {  	[spmem:s0@s7], [sflag:s10] =	dma.strided @!p0 [hbm:s1@s7], $0x200, s2, $0x10   }
0x46: {  	s0 =	rddreg [dreg:$0x7]  }
0x47: {  	s1 =	rddreg [dreg:$0x1b]  }
0x48: {  	[spmem:s0@s7], [sflag:s10] =	dma.strided @!p0 [hbm:s1@s7], $0x200, s2, $0x10   }
0x49: {  	s0 =	rddreg [dreg:$0x8]  }
0x4a: {  	s1 =	rddreg [dreg:$0x1c]  }
0x4b: {  	[spmem:s0@s7], [sflag:s10] =	dma.strided @!p0 [hbm:s1@s7], $0x200, s2, $0x10   }
0x4c: {  	s0 =	rddreg [dreg:$0x9]  }
0x4d: {  	s1 =	rddreg [dreg:$0x1d]  }
0x4e: {  	[spmem:s0@s7], [sflag:s10] =	dma.strided @!p0 [hbm:s1@s7], $0x200, s2, $0x10   }
0x4f: {  	s0 =	rddreg [dreg:$0xa]  }
0x50: {  	s1 =	rddreg [dreg:$0x1e]  }
0x51: {  	[spmem:s0@s7], [sflag:s10] =	dma.strided @!p0 [hbm:s1@s7], $0x200, s2, $0x10   }
0x52: {  	s0 =	rddreg [dreg:$0xb]  }
0x53: {  	s1 =	rddreg [dreg:$0x1f]  }
0x54: {  	[spmem:s0@s7], [sflag:s10] =	dma.strided @!p0 [hbm:s1@s7], $0x200, s2, $0x10   }
0x55: {  	s1 =	sld [smem:$0x7F0];
	_ =	sdelay $0x1  }
0x56: {  	s0 =	rddreg [dreg:$0xc]  }
0x57: {  	[spmem:s0@s7], [sflag:s10] =	dma.strided @!p0 [hbm:s1@s7], $0x200, s2, $0x10   }
0x58: {  	s1 =	sld [smem:$0x7F1];
	_ =	sdelay $0x1  }
0x59: {  	s0 =	rddreg [dreg:$0xd]  }
0x5a: {  	[spmem:s0@s7], [sflag:s10] =	dma.strided @!p0 [hbm:s1@s7], $0x200, s2, $0x10   }
0x5b: {  	s1 =	sld [smem:$0x7F2];
	_ =	sdelay $0x1  }
0x5c: {  	s0 =	rddreg [dreg:$0xe]  }
0x5d: {  	[spmem:s0@s7], [sflag:s10] =	dma.strided @!p0 [hbm:s1@s7], $0x200, s2, $0x10   }
0x5e: {  	s1 =	sld [smem:$0x7F3];
	_ =	sdelay $0x1  }
0x5f: {  	s0 =	rddreg [dreg:$0xf]  }
0x60: {  	[spmem:s0@s7], [sflag:s10] =	dma.strided @!p0 [hbm:s1@s7], $0x200, s2, $0x10   }
0x61: {  	s1 =	sld [smem:$0x7F4];
	_ =	sdelay $0x1  }
0x62: {  	s0 =	rddreg [dreg:$0x10]  }
0x63: {  	[spmem:s0@s7], [sflag:s10] =	dma.strided @!p0 [hbm:s1@s7], $0x200, s2, $0x10   }
0x64: {  	s1 =	sld [smem:$0x7F5];
	_ =	sdelay $0x1  }
0x65: {  	s0 =	rddreg [dreg:$0x11]  }
0x66: {  	[spmem:s0@s7], [sflag:s10] =	dma.strided @!p0 [hbm:s1@s7], $0x200, s2, $0x10   }
0x67: {  	s1 =	sld [smem:$0x7F6];
	_ =	sdelay $0x1  }
0x68: {  	s0 =	rddreg [dreg:$0x12]  }
0x69: {  	[spmem:s0@s7], [sflag:s10] =	dma.strided @!p0 [hbm:s1@s7], $0x200, s2, $0x10   }
0x6a: {  	s1 =	sld [smem:$0x7F7];
	_ =	sdelay $0x1  }
0x6b: {  	s0 =	rddreg [dreg:$0x13]  }
0x6c: {  	[spmem:s0@s7], [sflag:s10] =	dma.strided @!p0 [hbm:s1@s7], $0x200, s2, $0x10   }
0x6d: {  	s1 =	sld [smem:$0x7F8];
	_ =	sdelay $0x1  }
0x6e: {  	s0 =	rddreg [dreg:$0x14]  }
0x6f: {  	[spmem:s0@s7], [sflag:s10] =	dma.strided @!p0 [hbm:s1@s7], $0x200, s2, $0x10   }
0x70: {  	s1 =	sld [smem:$0x7F9];
	_ =	sdelay $0x1  }
0x71: {  	s0 =	rddreg [dreg:$0x15]  }
0x72: {  	[spmem:s0@s7], [sflag:s10] =	dma.strided @!p0 [hbm:s1@s7], $0x200, s2, $0x10   }
0x73: {  	s1 =	sld [smem:$0x7FA];
	_ =	sdelay $0x1  }
0x74: {  	s0 =	rddreg [dreg:$0x16]  }
0x75: {  	[spmem:s0@s7], [sflag:s10] =	dma.strided @!p0 [hbm:s1@s7], $0x200, s2, $0x10   }
0x76: {  	s1 =	sld [smem:$0x7FB];
	_ =	sdelay $0x1  }
0x77: {  	s0 =	rddreg [dreg:$0x17]  }
0x78: {  	[spmem:s0@s7], [sflag:s10] =	dma.strided @!p0 [hbm:s1@s7], $0x200, s2, $0x10   }
0x79: {  	s1 =	sld [smem:$0x7FC];
	_ =	sdelay $0x1  }
0x7a: {  	s0 =	rddreg [dreg:$0x18]  }
0x7b: {  	[spmem:s0@s7], [sflag:s10] =	dma.strided @!p0 [hbm:s1@s7], $0x200, s2, $0x10   }
.Ltmp2:
0x7c: {  	s1 =	sld [smem:$0x7FD];
	(pc) =	sbr.rel .LBB2_3-.Ltmp2, $4  }
0x7d: {  	_ = 	snop  }
0x7e: {  	s0 =	rddreg [dreg:$0x19]  }
0x7f: {  	[spmem:s0@s7], [sflag:s10] =	dma.strided @!p0 [hbm:s1@s7], $0x200, s2, $0x10   }
0x80: {  	s0 =	simm.s32 $0x0  }
.LBB2_2:
0x81: {  	p2 =	sgt.u32 s26, $0x19  }
.Ltmp3:
0x82: {  	_ = 	snop;
	(pc) =	sbr.rel @p2 .LBB2_14-.Ltmp3, $2  }
0x83: {  	_ =	sdelay $0x2  }
0x84: {  	s0 =	smov.u32 s26  }
.LBB2_3:
0x85: {  	s2 =	smul.u32 $0x30E000, s0  }
.Ltmp4:
0x86: {  	_ = 	snop;
	(pc) =	sbr.rel @p1 .LBB2_5-.Ltmp4, $4  }
0x87: {  	s2 =	sadd.s32 s8, s2  }
0x88: {  	s1 =	rddreg [dreg:$0x0];
	s2 =	sshrl.u32 s2, $0x3  }
0x89: {  	s2 =	sadd.s32 s1, s2  }
0x8a: {  	[tilespmem:s5], [sflag:$0x6] =	stream.strided.gather [hbm4b:s2+s29], $0x18700, s30, s29, $0x38;
	[tilespmem:$0x1F700] =	vst v63  }
.Ltmp5:
0x8b: {  	(pc) =	sbr.rel .LBB2_7-.Ltmp5, $3  }
0x8c: {  	_ =	sdelay $0x1  }
0x8d: {  	[bflag:$0x0] =	sbarrier.arrive $0xFFFF  }
0x8e: {  	s26 =	sadd.s32 $0x1, s0  }
.LBB2_5:
0x8f: {  	_ =	swait.ge [sflag:s16], $0x200  }
0x90: {  	[sflag:s16] =	ssyncset.done $0x0  }
0x91: {  	[sflag:s16] =	ssyncadd.s32 $0xFFFFFE00  }
0x92: {  	_ =	swait.ge [sflag:s16], $0x200  }
0x93: {  	[sflag:s16] =	ssyncset.done $0x0  }
0x94: {  	[sflag:s16] =	ssyncadd.s32 $0xFFFFFE00  }
0x95: {  	_ =	swait.ge [sflag:s16], $0x200  }
0x96: {  	[sflag:s16] =	ssyncset.done $0x0  }
0x97: {  	[sflag:s16] =	ssyncadd.s32 $0xFFFFFE00  }
0x98: {  	_ =	swait.ge [sflag:s16], $0x200  }
0x99: {  	[sflag:s16] =	ssyncset.done $0x0  }
0x9a: {  	[sflag:s16] =	ssyncadd.s32 $0xFFFFFE00  }
0x9b: {  	_ =	swait.ge [sflag:s16], $0x200  }
0x9c: {  	[sflag:s16] =	ssyncset.done $0x0  }
0x9d: {  	[sflag:s16] =	ssyncadd.s32 $0xFFFFFE00  }
0x9e: {  	_ =	swait.ge [sflag:s16], $0x200  }
0x9f: {  	[sflag:s16] =	ssyncset.done $0x0  }
0xa0: {  	[sflag:s16] =	ssyncadd.s32 $0xFFFFFE00  }
0xa1: {  	_ =	swait.ge [sflag:s16], $0x200  }
0xa2: {  	[sflag:s16] =	ssyncset.done $0x0  }
0xa3: {  	[sflag:s16] =	ssyncadd.s32 $0xFFFFFE00  }
0xa4: {  	_ =	swait.ge [sflag:s16], $0x200  }
0xa5: {  	[sflag:s16] =	ssyncset.done $0x0  }
0xa6: {  	[sflag:s16] =	ssyncadd.s32 $0xFFFFFE00  }
0xa7: {  	_ =	swait.ge [sflag:s16], $0x200  }
0xa8: {  	[sflag:s16] =	ssyncset.done $0x0  }
0xa9: {  	[sflag:s16] =	ssyncadd.s32 $0xFFFFFE00  }
0xaa: {  	_ =	swait.ge [sflag:s16], $0x200  }
0xab: {  	[sflag:s16] =	ssyncset.done $0x0  }
0xac: {  	[sflag:s16] =	ssyncadd.s32 $0xFFFFFE00  }
0xad: {  	_ =	swait.ge [sflag:s16], $0x200  }
0xae: {  	[sflag:s16] =	ssyncset.done $0x0  }
0xaf: {  	[sflag:s16] =	ssyncadd.s32 $0xFFFFFE00  }
0xb0: {  	_ =	swait.ge [sflag:s16], $0x200  }
0xb1: {  	[sflag:s16] =	ssyncset.done $0x0  }
0xb2: {  	[sflag:s16] =	ssyncadd.s32 $0xFFFFFE00  }
0xb3: {  	_ =	swait.ge [sflag:s16], $0x200  }
0xb4: {  	[sflag:s16] =	ssyncset.done $0x0  }
0xb5: {  	[sflag:s16] =	ssyncadd.s32 $0xFFFFFE00  }
0xb6: {  	_ =	swait.ge [sflag:s16], $0x200  }
0xb7: {  	[sflag:s16] =	ssyncset.done $0x0  }
0xb8: {  	[sflag:s16] =	ssyncadd.s32 $0xFFFFFE00  }
0xb9: {  	_ =	swait.ge [sflag:s16], $0x200  }
0xba: {  	[sflag:s16] =	ssyncset.done $0x0  }
0xbb: {  	[sflag:s16] =	ssyncadd.s32 $0xFFFFFE00  }
0xbc: {  	_ =	swait.ge [sflag:s16], $0x200  }
0xbd: {  	[sflag:s16] =	ssyncset.done $0x0  }
0xbe: {  	[sflag:s16] =	ssyncadd.s32 $0xFFFFFE00  }
0xbf: {  	_ =	swait.ge [sflag:s16], $0x200  }
0xc0: {  	[sflag:s16] =	ssyncset.done $0x0  }
0xc1: {  	[sflag:s16] =	ssyncadd.s32 $0xFFFFFE00  }
0xc2: {  	_ =	swait.ge [sflag:s16], $0x200  }
0xc3: {  	[sflag:s16] =	ssyncset.done $0x0  }
0xc4: {  	[sflag:s16] =	ssyncadd.s32 $0xFFFFFE00  }
0xc5: {  	_ =	swait.ge [sflag:s16], $0x200  }
0xc6: {  	[sflag:s16] =	ssyncset.done $0x0  }
0xc7: {  	p2 =	seq.s32 s0, $0x19;
	[sflag:s16] =	ssyncadd.s32 $0xFFFFFE00  }
.Ltmp6:
0xc8: {  	_ =	swait.ge [sflag:s16], $0x200;
	(pc) =	sbr.rel @p2 .LBB2_7-.Ltmp6, $4  }
0xc9: {  	[sflag:s16] =	ssyncset.done $0x0  }
0xca: {  	[sflag:s16] =	ssyncadd.s32 $0xFFFFFE00  }
0xcb: {  	[bflag:$0x0] =	sbarrier.arrive $0xFFFF  }
0xcc: {  	s26 =	simm.s32 $0x1A  }
0xcd: {  	s26 =	sadd.s32 $0x1, s0  }
0xce: {  	s2 =	sand.u32 $0x1, s26  }
0xcf: {  	s7 =	smul.u32 $0x18000, s26;
	p2 =	seq.s32 s2, $0x1;
	s2 =	simm.s32 $0x18000  }
0xd0: {  	s2 =	simm.s32 @!p2 $0x0  }
0xd1: {  	s1 =	rddreg [dreg:$0x1];
	s10 =	sshrl.u32 s7, $0x3;
	s2 =	sadd.s32 s2, s4  }
0xd2: {  	s7 =	sadd.s32 s1, s10;
	s11 =	sshrl.u32 s2, $0x3  }
0xd3: {  	[spmem:s11@s29], [sflag:s18] =	dma.strided [hbm:s7@s29], $0x200, s17, $0x10   }
0xd4: {  	s14 =	sadd.s32 $0x80, s2;
	s25 =	rddreg [dreg:$0x1b]  }
0xd5: {  	s11 =	sshrl.u32 s14, $0x3;
	s12 =	sadd.s32 s10, s25  }
0xd6: {  	[spmem:s11@s29], [sflag:s18] =	dma.strided [hbm:s12@s29], $0x200, s17, $0x10   }
0xd7: {  	s12 =	sadd.s32 $0x100, s2;
	s13 =	rddreg [dreg:$0x1c]  }
0xd8: {  	s11 =	sshrl.u32 s12, $0x3;
	s14 =	sadd.s32 s10, s13  }
0xd9: {  	[spmem:s11@s29], [sflag:s18] =	dma.strided [hbm:s14@s29], $0x200, s17, $0x10   }
0xda: {  	s25 =	sadd.s32 $0x180, s2;
	s12 =	rddreg [dreg:$0x1d]  }
0xdb: {  	s11 =	sshrl.u32 s25, $0x3;
	s13 =	sadd.s32 s10, s12  }
0xdc: {  	[spmem:s11@s29], [sflag:s18] =	dma.strided [hbm:s13@s29], $0x200, s17, $0x10   }
0xdd: {  	s14 =	sadd.s32 $0x200, s2;
	s25 =	rddreg [dreg:$0x1e]  }
0xde: {  	s11 =	sshrl.u32 s14, $0x3;
	s1 =	sadd.s32 s10, s25  }
0xdf: {  	[spmem:s11@s29], [sflag:s18] =	dma.strided [hbm:s1@s29], $0x200, s17, $0x10   }
0xe0: {  	s12 =	sadd.s32 $0x280, s2;
	s13 =	rddreg [dreg:$0x1f]  }
0xe1: {  	s11 =	sshrl.u32 s12, $0x3;
	s14 =	sadd.s32 s10, s13  }
0xe2: {  	[spmem:s11@s29], [sflag:s18] =	dma.strided [hbm:s14@s29], $0x200, s17, $0x10   }
0xe3: {  	s12 =	sld [smem:$0x7F0];
	_ =	sdelay $0x1  }
0xe4: {  	s25 =	sadd.s32 $0x300, s2  }
0xe5: {  	s11 =	sshrl.u32 s25, $0x3;
	s13 =	sadd.s32 s10, s12  }
0xe6: {  	[spmem:s11@s29], [sflag:s18] =	dma.strided [hbm:s13@s29], $0x200, s17, $0x10   }
0xe7: {  	s25 =	sld [smem:$0x7F1];
	_ =	sdelay $0x1  }
0xe8: {  	s14 =	sadd.s32 $0x380, s2  }
0xe9: {  	s11 =	sshrl.u32 s14, $0x3;
	s10 =	sadd.s32 s10, s25  }
0xea: {  	[spmem:s11@s29], [sflag:s18] =	dma.strided [hbm:s10@s29], $0x200, s17, $0x10   }
0xeb: {  	s1 =	sadd.s32 $0x1020, s7;
	s12 =	sadd.s32 $0x1000, s7;
	s11 =	sadd.s32 $0x8000, s2  }
0xec: {  	s13 =	sadd.s32 $0x8080, s2;
	s14 =	sadd.s32 $0x1010, s7;
	s10 =	sshrl.u32 s11, $0x3  }
0xed: {  	[spmem:s10@s29], [sflag:s18] =	dma.strided [hbm:s12@s29], $0x200, s17, $0x10   }
0xee: {  	s25 =	sadd.s32 $0x8100, s2;
	s11 =	sadd.s32 $0x8180, s2;
	s10 =	sshrl.u32 s13, $0x3  }
0xef: {  	[spmem:s10@s29], [sflag:s18] =	dma.strided [hbm:s14@s29], $0x200, s17, $0x10   }
0xf0: {  	s12 =	sadd.s32 $0x1030, s7;
	s13 =	sadd.s32 $0x8200, s2;
	s10 =	sshrl.u32 s25, $0x3  }
0xf1: {  	[spmem:s10@s29], [sflag:s18] =	dma.strided [hbm:s1@s29], $0x200, s17, $0x10   }
0xf2: {  	s14 =	sadd.s32 $0x1040, s7;
	s25 =	sadd.s32 $0x8280, s2;
	s10 =	sshrl.u32 s11, $0x3  }
0xf3: {  	[spmem:s10@s29], [sflag:s18] =	dma.strided [hbm:s12@s29], $0x200, s17, $0x10   }
0xf4: {  	s1 =	sadd.s32 $0x1050, s7;
	s11 =	sadd.s32 $0x8300, s2;
	s10 =	sshrl.u32 s13, $0x3  }
0xf5: {  	[spmem:s10@s29], [sflag:s18] =	dma.strided [hbm:s14@s29], $0x200, s17, $0x10   }
0xf6: {  	s12 =	sadd.s32 $0x1060, s7;
	s13 =	sadd.s32 $0x8380, s2;
	s10 =	sshrl.u32 s25, $0x3  }
0xf7: {  	[spmem:s10@s29], [sflag:s18] =	dma.strided [hbm:s1@s29], $0x200, s17, $0x10   }
0xf8: {  	s14 =	sadd.s32 $0x1070, s7;
	s25 =	sadd.s32 $0x10000, s2;
	s10 =	sshrl.u32 s11, $0x3  }
0xf9: {  	[spmem:s10@s29], [sflag:s18] =	dma.strided [hbm:s12@s29], $0x200, s17, $0x10   }
0xfa: {  	s1 =	sadd.s32 $0x2000, s7;
	s10 =	sshrl.u32 s13, $0x3;
	s12 =	sadd.s32 $0x10080, s2  }
0xfb: {  	[spmem:s10@s29], [sflag:s18] =	dma.strided [hbm:s14@s29], $0x200, s17, $0x10   }
0xfc: {  	s13 =	sadd.s32 $0x2010, s7;
	s10 =	sshrl.u32 s25, $0x3;
	s14 =	sadd.s32 $0x10100, s2  }
0xfd: {  	[spmem:s10@s29], [sflag:s18] =	dma.strided [hbm:s1@s29], $0x200, s17, $0x10   }
0xfe: {  	s25 =	sadd.s32 $0x2020, s7;
	s2 =	sadd.s32 $0x10180, s2;
	s10 =	sshrl.u32 s12, $0x3  }
0xff: {  	[spmem:s10@s29], [sflag:s18] =	dma.strided [hbm:s13@s29], $0x200, s17, $0x10   }
0x100: {  	s7 =	sadd.s32 $0x2030, s7;
	s2 =	sshrl.u32 s2, $0x3;
	s10 =	sshrl.u32 s14, $0x3  }
0x101: {  	[spmem:s10@s29], [sflag:s18] =	dma.strided [hbm:s25@s29], $0x200, s17, $0x10   }
0x102: {  	[spmem:s2@s29], [sflag:s18] =	dma.strided [hbm:s7@s29], $0x200, s17, $0x10   }
.LBB2_7:
0x103: {  	s2 =	sand.u32 $0x1, s0  }
0x104: {  	p2 =	seq.s32 s2, $0x1;
	s2 =	simm.s32 $0x18000  }
0x105: {  	s2 =	simm.s32 @!p2 $0x0  }
0x106: {  	s2 =	sadd.s32 s2, s4  }
0x107: {  	[tilespmem:s19], [sflag:$0x1] =	stream.strided.gather [spmem:s2], $0x1000, s30, s29, $0x38;
	[tilespmem:$0x1F700] =	vst v63  }
0x108: {  	s7 =	sadd.s32 $0x80, s2  }
0x109: {  	[tilespmem:s20], [sflag:$0x2] =	stream.strided.gather [spmem:s7], $0x1000, s30, s29, $0x38;
	[tilespmem:$0x1F700] =	vst v63  }
0x10a: {  	s14 =	sshll.u32 s0, $0x11;
	_ =	swait.ge [sflag:s21], $0x18700  }
0x10b: {  	s10 =	simm.s32 $0x0;
	s25 =	sor.u32 s9, s14;
	[sflag:s21] =	ssyncset.done $0x0  }
0x10c: {  	s0 =	sor.u32 s6, s25;
	s7 =	sadd.s32 s25, s28;
	[sflag:s21] =	ssyncadd.s32 $0xFFFE7900  }
.LBB2_8:
0x10d: {  	_ =	swait.ge [sflag:s17], $0x1000  }
0x10e: {  	[sflag:s17] =	ssyncset.done $0x0  }
0x10f: {  	[sflag:s17] =	ssyncadd.s32 $0xFFFFF000  }
0x110: {  	_ =	swait.ge [sflag:s22], $0x1000  }
0x111: {  	[sflag:s22] =	ssyncset.done $0x0  }
0x112: {  	s11 =	simm.s32 $0x18780;
	[sflag:s22] =	ssyncadd.s32 $0xFFFFF000  }
0x113: {  	v0 =	vld [tilespmem:s11+$0x70]  }
0x114: {  	v1 =	vld [tilespmem:s11+$0xFFFFFF90]  }
0x115: {  	v2 =	vld [tilespmem:s11+$0xFFFFFFA0]  }
0x116: {  	v3 =	vld [tilespmem:s11+$0xFFFFFFB0]  }
0x117: {  	v4 =	vld [tilespmem:s11+$0xFFFFFFC0]  }
0x118: {  	v5 =	vld [tilespmem:s11+$0xFFFFFFD0]  }
0x119: {  	v6 =	vld [tilespmem:s11+$0xFFFFFFE0]  }
0x11a: {  	v7 =	vld [tilespmem:s11+$0xFFFFFFF0]  }
0x11b: {  	v8 =	vld [tilespmem:s11+$0x0]  }
0x11c: {  	v9 =	vld [tilespmem:s11+$0x10]  }
0x11d: {  	v10 =	vld [tilespmem:s11+$0x20]  }
0x11e: {  	v11 =	vld [tilespmem:s11+$0x30]  }
0x11f: {  	v12 =	vld [tilespmem:s11+$0x40]  }
0x120: {  	v13 =	vld [tilespmem:s11+$0x50]  }
0x121: {  	v14 =	vld [tilespmem:s11+$0x60]  }
0x122: {  	v15 =	vld [tilespmem:s11+$0xFFFFFF80]  }
0x123: {  	v0 =	vld.idx.msk [tilespmem:v0+s5+$0x0], $0xffff  }
0x124: {  	v1 =	vld.idx.msk [tilespmem:v1+s5+$0x0], $0xffff  }
0x125: {  	v2 =	vld.idx.msk [tilespmem:v2+s5+$0x0], $0xffff  }
0x126: {  	v3 =	vld.idx.msk [tilespmem:v3+s5+$0x0], $0xffff  }
0x127: {  	v4 =	vld.idx.msk [tilespmem:v4+s5+$0x0], $0xffff  }
0x128: {  	s12 =	simm.s32 $0x1A780;
	v5 =	vld.idx.msk [tilespmem:v5+s5+$0x0], $0xffff  }
0x129: {  	v6 =	vld.idx.msk [tilespmem:v6+s5+$0x0], $0xffff;
	[tilespmem:s12+$0x70] =	vst v0  }
0x12a: {  	v7 =	vld.idx.msk [tilespmem:v7+s5+$0x0], $0xffff;
	[tilespmem:s12+$0xFFFFFF90] =	vst v1  }
0x12b: {  	v15 =	vld.idx.msk [tilespmem:v15+s5+$0x0], $0xffff;
	[tilespmem:s12+$0xFFFFFFA0] =	vst v2  }
0x12c: {  	v8 =	vld.idx.msk [tilespmem:v8+s5+$0x0], $0xffff;
	[tilespmem:s12+$0xFFFFFFB0] =	vst v3  }
0x12d: {  	[tilespmem:s12+$0xFFFFFFC0] =	vst v4;
	v0 =	vld.idx.msk [tilespmem:v9+s5+$0x0], $0xffff  }
0x12e: {  	s11 =	smul.u32 $0x680000, s10;
	[tilespmem:s12+$0xFFFFFFD0] =	vst v5;
	v1 =	vld.idx.msk [tilespmem:v10+s5+$0x0], $0xffff  }
0x12f: {  	[tilespmem:s12+$0xFFFFFFE0] =	vst v6;
	v2 =	vld.idx.msk [tilespmem:v11+s5+$0x0], $0xffff  }
0x130: {  	s13 =	sadd.s32 s0, s11;
	[tilespmem:s12+$0xFFFFFFF0] =	vst v7;
	v3 =	vld.idx.msk [tilespmem:v12+s5+$0x0], $0xffff  }
0x131: {  	s13 =	sshrl.u32 s13, $0x3;
	[tilespmem:s12+$0xFFFFFF80] =	vst v15;
	v4 =	vld.idx.msk [tilespmem:v13+s5+$0x0], $0xffff  }
0x132: {  	s14 =	simm.s32 $0x0;
	s25 =	simm.s32 $0x18880;
	s13 =	sadd.s32 s3, s13;
	[tilespmem:s12+$0x0] =	vst v8;
	v5 =	vld.idx.msk [tilespmem:v14+s5+$0x0], $0xffff  }
.LBB2_9:
0x133: {  	v6 =	vld [tilespmem:s25+$0x70];
	s14 =	sadd.s32 $0x10, s14;
	[tilespmem:s12+$0x10] =	vst v0  }
0x134: {  	v0 =	vld [tilespmem:s25+$0xFFFFFF90];
	p2 =	slt.u32 s14, $0xF0;
	[tilespmem:s12+$0x20] =	vst v1  }
0x135: {  	v1 =	vld [tilespmem:s25+$0xFFFFFFA0];
	[tilespmem:s12+$0x30] =	vst v2  }
0x136: {  	v2 =	vld [tilespmem:s25+$0xFFFFFFB0];
	[tilespmem:s12+$0x40] =	vst v3  }
0x137: {  	v3 =	vld [tilespmem:s25+$0xFFFFFFC0];
	[tilespmem:s12+$0x50] =	vst v4  }
0x138: {  	v4 =	vld [tilespmem:s25+$0xFFFFFFD0];
	[tilespmem:s12+$0x60] =	vst v5  }
0x139: {  	v5 =	vld [tilespmem:s25+$0xFFFFFFE0]  }
0x13a: {  	v7 =	vld [tilespmem:s25+$0xFFFFFFF0]  }
0x13b: {  	v6 =	vld.idx.msk [tilespmem:v6+s5+$0x0], $0xffff  }
0x13c: {  	v8 =	vld [tilespmem:s25+$0x0]  }
0x13d: {  	v9 =	vld [tilespmem:s25+$0x10]  }
0x13e: {  	v10 =	vld [tilespmem:s25+$0x20]  }
0x13f: {  	v11 =	vld [tilespmem:s25+$0x30]  }
0x140: {  	s12 =	sadd.s32 $0x100, s12;
	v12 =	vld [tilespmem:s25+$0x40]  }
0x141: {  	v13 =	vld [tilespmem:s25+$0x50];
	[tilespmem:s12+$0x70] =	vst v6  }
0x142: {  	v6 =	vld [tilespmem:s25+$0x60]  }
0x143: {  	v14 =	vld [tilespmem:s25+$0xFFFFFF80]  }
0x144: {  	v0 =	vld.idx.msk [tilespmem:v0+s5+$0x0], $0xffff  }
0x145: {  	v1 =	vld.idx.msk [tilespmem:v1+s5+$0x0], $0xffff  }
0x146: {  	v2 =	vld.idx.msk [tilespmem:v2+s5+$0x0], $0xffff  }
0x147: {  	v3 =	vld.idx.msk [tilespmem:v3+s5+$0x0], $0xffff  }
0x148: {  	v4 =	vld.idx.msk [tilespmem:v4+s5+$0x0], $0xffff  }
0x149: {  	v5 =	vld.idx.msk [tilespmem:v5+s5+$0x0], $0xffff  }
0x14a: {  	[tilespmem:s12+$0xFFFFFF90] =	vst v0;
	v7 =	vld.idx.msk [tilespmem:v7+s5+$0x0], $0xffff  }
0x14b: {  	v14 =	vld.idx.msk [tilespmem:v14+s5+$0x0], $0xffff;
	[tilespmem:s12+$0xFFFFFFA0] =	vst v1  }
0x14c: {  	[tilespmem:s12+$0xFFFFFFB0] =	vst v2;
	v8 =	vld.idx.msk [tilespmem:v8+s5+$0x0], $0xffff  }
0x14d: {  	[tilespmem:s12+$0xFFFFFFC0] =	vst v3;
	v0 =	vld.idx.msk [tilespmem:v9+s5+$0x0], $0xffff  }
.Ltmp7:
0x14e: {  	[tilespmem:s12+$0xFFFFFFD0] =	vst v4;
	v1 =	vld.idx.msk [tilespmem:v10+s5+$0x0], $0xffff;
	(pc) =	sbr.rel @p2 .LBB2_9-.Ltmp7, $4  }
0x14f: {  	[tilespmem:s12+$0xFFFFFFE0] =	vst v5;
	v2 =	vld.idx.msk [tilespmem:v11+s5+$0x0], $0xffff  }
0x150: {  	[tilespmem:s12+$0xFFFFFFF0] =	vst v7;
	v3 =	vld.idx.msk [tilespmem:v12+s5+$0x0], $0xffff  }
0x151: {  	[tilespmem:s12+$0xFFFFFF80] =	vst v14;
	v4 =	vld.idx.msk [tilespmem:v13+s5+$0x0], $0xffff  }
0x152: {  	s25 =	sadd.s32 $0x100, s25;
	[tilespmem:s12+$0x0] =	vst v8;
	v5 =	vld.idx.msk [tilespmem:v6+s5+$0x0], $0xffff  }
0x153: {  	[tilespmem:s12+$0x10] =	vst v0  }
0x154: {  	[tilespmem:s12+$0x20] =	vst v1  }
0x155: {  	[tilespmem:s12+$0x30] =	vst v2  }
0x156: {  	[tilespmem:s12+$0x40] =	vst v3  }
0x157: {  	[tilespmem:s12+$0x50] =	vst v4  }
0x158: {  	p2 =	seq.s32 s10, $0x9;
	[tilespmem:s12+$0x60] =	vst v5;
	s12 =	sshll.u32 s10, $0x1  }
0x159: {  	[hbm4b:s13+s29] =	stream.strided.scatter [tilespmem:s31], [sflag:$0x3], $0x1000, s30, s29, $0x38;
	[tilespmem:$0x1F700] =	vst v63  }
0x15a: {  	s13 =	sadd.s32 @!p2 $0x2, s12  }
0x15b: {  	s14 =	sshll.u32 @!p2 s13, $0xC  }
0x15c: {  	s13 =	sshll.u32 @!p2 s13, $0x7;
	s14 =	sand.u32 @!p2 $0x38000, s14  }
0x15d: {  	s25 =	simm.s32 @!p2 $0x400;
	s13 =	sand.u32 @!p2 $0x300, s13;
	s14 =	sadd.s32 @!p2 s14, s2  }
0x15e: {  	s1 =	simm.s32 @!p2 $0x18700;
	s13 =	sadd.s32 @!p2 s13, s14;
	s14 =	simm.s32 @!p2 $0x80  }
0x15f: {  	[tilespmem:s1], [sflag:$0x1] =	stream.strided.gather @!p2 [spmem:s13], $0x1000, s25, s14, $0x38;
	[tilespmem:$0x1F700] =	vst v63  }
0x160: {  	_ =	swait.ge [sflag:s23], $0x1000  }
0x161: {  	[sflag:s23] =	ssyncset.done $0x0  }
0x162: {  	[sflag:s23] =	ssyncadd.s32 $0xFFFFF000  }
0x163: {  	_ =	swait.ge [sflag:s24], $0x1000  }
0x164: {  	[sflag:s24] =	ssyncset.done $0x0  }
0x165: {  	s14 =	simm.s32 $0x19780;
	[sflag:s24] =	ssyncadd.s32 $0xFFFFF000  }
0x166: {  	v0 =	vld [tilespmem:s14+$0x70]  }
0x167: {  	v1 =	vld [tilespmem:s14+$0xFFFFFF90]  }
0x168: {  	v2 =	vld [tilespmem:s14+$0xFFFFFFA0]  }
0x169: {  	v3 =	vld [tilespmem:s14+$0xFFFFFFB0]  }
0x16a: {  	v4 =	vld [tilespmem:s14+$0xFFFFFFC0]  }
0x16b: {  	v5 =	vld [tilespmem:s14+$0xFFFFFFD0]  }
0x16c: {  	v6 =	vld [tilespmem:s14+$0xFFFFFFE0]  }
0x16d: {  	v7 =	vld [tilespmem:s14+$0xFFFFFFF0]  }
0x16e: {  	v8 =	vld [tilespmem:s14+$0x0]  }
0x16f: {  	v9 =	vld [tilespmem:s14+$0x10]  }
0x170: {  	v10 =	vld [tilespmem:s14+$0x20]  }
0x171: {  	v11 =	vld [tilespmem:s14+$0x30]  }
0x172: {  	v12 =	vld [tilespmem:s14+$0x40]  }
0x173: {  	v13 =	vld [tilespmem:s14+$0x50]  }
0x174: {  	v14 =	vld [tilespmem:s14+$0x60]  }
0x175: {  	v15 =	vld [tilespmem:s14+$0xFFFFFF80]  }
0x176: {  	v0 =	vld.idx.msk [tilespmem:v0+s5+$0x0], $0xffff  }
0x177: {  	v1 =	vld.idx.msk [tilespmem:v1+s5+$0x0], $0xffff  }
0x178: {  	v2 =	vld.idx.msk [tilespmem:v2+s5+$0x0], $0xffff  }
0x179: {  	v3 =	vld.idx.msk [tilespmem:v3+s5+$0x0], $0xffff  }
0x17a: {  	v4 =	vld.idx.msk [tilespmem:v4+s5+$0x0], $0xffff  }
0x17b: {  	s13 =	simm.s32 $0x1B780;
	v5 =	vld.idx.msk [tilespmem:v5+s5+$0x0], $0xffff  }
0x17c: {  	v6 =	vld.idx.msk [tilespmem:v6+s5+$0x0], $0xffff;
	[tilespmem:s13+$0x70] =	vst v0  }
0x17d: {  	v7 =	vld.idx.msk [tilespmem:v7+s5+$0x0], $0xffff;
	[tilespmem:s13+$0xFFFFFF90] =	vst v1  }
0x17e: {  	v15 =	vld.idx.msk [tilespmem:v15+s5+$0x0], $0xffff;
	[tilespmem:s13+$0xFFFFFFA0] =	vst v2  }
0x17f: {  	v8 =	vld.idx.msk [tilespmem:v8+s5+$0x0], $0xffff;
	[tilespmem:s13+$0xFFFFFFB0] =	vst v3  }
0x180: {  	[tilespmem:s13+$0xFFFFFFC0] =	vst v4;
	v0 =	vld.idx.msk [tilespmem:v9+s5+$0x0], $0xffff  }
0x181: {  	[tilespmem:s13+$0xFFFFFFD0] =	vst v5;
	v1 =	vld.idx.msk [tilespmem:v10+s5+$0x0], $0xffff  }
0x182: {  	[tilespmem:s13+$0xFFFFFFE0] =	vst v6;
	v2 =	vld.idx.msk [tilespmem:v11+s5+$0x0], $0xffff  }
0x183: {  	s25 =	sadd.s32 s11, s7;
	[tilespmem:s13+$0xFFFFFFF0] =	vst v7;
	v3 =	vld.idx.msk [tilespmem:v12+s5+$0x0], $0xffff  }
0x184: {  	s1 =	sshrl.u32 s25, $0x3;
	[tilespmem:s13+$0xFFFFFF80] =	vst v15;
	v4 =	vld.idx.msk [tilespmem:v13+s5+$0x0], $0xffff  }
0x185: {  	s25 =	simm.s32 $0x19880;
	s11 =	sadd.s32 s3, s1;
	s14 =	simm.s32 $0x0;
	[tilespmem:s13+$0x0] =	vst v8;
	v5 =	vld.idx.msk [tilespmem:v14+s5+$0x0], $0xffff  }
.LBB2_11:
0x186: {  	v6 =	vld [tilespmem:s25+$0x70];
	s14 =	sadd.s32 $0x10, s14;
	[tilespmem:s13+$0x10] =	vst v0  }
0x187: {  	v0 =	vld [tilespmem:s25+$0xFFFFFF90];
	p3 =	slt.u32 s14, $0xF0;
	[tilespmem:s13+$0x20] =	vst v1  }
0x188: {  	v1 =	vld [tilespmem:s25+$0xFFFFFFA0];
	[tilespmem:s13+$0x30] =	vst v2  }
0x189: {  	v2 =	vld [tilespmem:s25+$0xFFFFFFB0];
	[tilespmem:s13+$0x40] =	vst v3  }
0x18a: {  	v3 =	vld [tilespmem:s25+$0xFFFFFFC0];
	[tilespmem:s13+$0x50] =	vst v4  }
0x18b: {  	v4 =	vld [tilespmem:s25+$0xFFFFFFD0];
	[tilespmem:s13+$0x60] =	vst v5  }
0x18c: {  	v5 =	vld [tilespmem:s25+$0xFFFFFFE0]  }
0x18d: {  	v7 =	vld [tilespmem:s25+$0xFFFFFFF0]  }
0x18e: {  	v6 =	vld.idx.msk [tilespmem:v6+s5+$0x0], $0xffff  }
0x18f: {  	v8 =	vld [tilespmem:s25+$0x0]  }
0x190: {  	v9 =	vld [tilespmem:s25+$0x10]  }
0x191: {  	v10 =	vld [tilespmem:s25+$0x20]  }
0x192: {  	v11 =	vld [tilespmem:s25+$0x30]  }
0x193: {  	s13 =	sadd.s32 $0x100, s13;
	v12 =	vld [tilespmem:s25+$0x40]  }
0x194: {  	v13 =	vld [tilespmem:s25+$0x50];
	[tilespmem:s13+$0x70] =	vst v6  }
0x195: {  	v6 =	vld [tilespmem:s25+$0x60]  }
0x196: {  	v14 =	vld [tilespmem:s25+$0xFFFFFF80]  }
0x197: {  	v0 =	vld.idx.msk [tilespmem:v0+s5+$0x0], $0xffff  }
0x198: {  	v1 =	vld.idx.msk [tilespmem:v1+s5+$0x0], $0xffff  }
0x199: {  	v2 =	vld.idx.msk [tilespmem:v2+s5+$0x0], $0xffff  }
0x19a: {  	v3 =	vld.idx.msk [tilespmem:v3+s5+$0x0], $0xffff  }
0x19b: {  	v4 =	vld.idx.msk [tilespmem:v4+s5+$0x0], $0xffff  }
0x19c: {  	v5 =	vld.idx.msk [tilespmem:v5+s5+$0x0], $0xffff  }
0x19d: {  	[tilespmem:s13+$0xFFFFFF90] =	vst v0;
	v7 =	vld.idx.msk [tilespmem:v7+s5+$0x0], $0xffff  }
0x19e: {  	v14 =	vld.idx.msk [tilespmem:v14+s5+$0x0], $0xffff;
	[tilespmem:s13+$0xFFFFFFA0] =	vst v1  }
0x19f: {  	[tilespmem:s13+$0xFFFFFFB0] =	vst v2;
	v8 =	vld.idx.msk [tilespmem:v8+s5+$0x0], $0xffff  }
0x1a0: {  	[tilespmem:s13+$0xFFFFFFC0] =	vst v3;
	v0 =	vld.idx.msk [tilespmem:v9+s5+$0x0], $0xffff  }
.Ltmp8:
0x1a1: {  	[tilespmem:s13+$0xFFFFFFD0] =	vst v4;
	v1 =	vld.idx.msk [tilespmem:v10+s5+$0x0], $0xffff;
	(pc) =	sbr.rel @p3 .LBB2_11-.Ltmp8, $4  }
0x1a2: {  	[tilespmem:s13+$0xFFFFFFE0] =	vst v5;
	v2 =	vld.idx.msk [tilespmem:v11+s5+$0x0], $0xffff  }
0x1a3: {  	[tilespmem:s13+$0xFFFFFFF0] =	vst v7;
	v3 =	vld.idx.msk [tilespmem:v12+s5+$0x0], $0xffff  }
0x1a4: {  	[tilespmem:s13+$0xFFFFFF80] =	vst v14;
	v4 =	vld.idx.msk [tilespmem:v13+s5+$0x0], $0xffff  }
0x1a5: {  	s25 =	sadd.s32 $0x100, s25;
	[tilespmem:s13+$0x0] =	vst v8;
	v5 =	vld.idx.msk [tilespmem:v6+s5+$0x0], $0xffff  }
0x1a6: {  	[tilespmem:s13+$0x10] =	vst v0  }
0x1a7: {  	[tilespmem:s13+$0x20] =	vst v1  }
.Ltmp9:
0x1a8: {  	[tilespmem:s13+$0x30] =	vst v2;
	(pc) =	sbr.rel @p2 .LBB2_2-.Ltmp9, $4  }
0x1a9: {  	[tilespmem:s13+$0x40] =	vst v3  }
0x1aa: {  	[tilespmem:s13+$0x50] =	vst v4  }
0x1ab: {  	[tilespmem:s13+$0x60] =	vst v5  }
0x1ac: {  	[hbm4b:s11+s29] =	stream.strided.scatter [tilespmem:s15], [sflag:$0x4], $0x1000, s30, s29, $0x38;
	[tilespmem:$0x1F700] =	vst v63  }
0x1ad: {  	s1 =	sadd.s32 $0x3, s12  }
.Ltmp10:
0x1ae: {  	s11 =	sshll.u32 s1, $0xC;
	(pc) =	sbr.rel .LBB2_8-.Ltmp10, $4  }
0x1af: {  	s1 =	sshll.u32 s1, $0x7;
	s11 =	sand.u32 $0x38000, s11  }
0x1b0: {  	s1 =	sand.u32 $0x380, s1;
	s11 =	sadd.s32 s11, s2  }
0x1b1: {  	s10 =	sadd.s32 $0x1, s10;
	s1 =	sadd.s32 s1, s11  }
0x1b2: {  	[tilespmem:s20], [sflag:$0x2] =	stream.strided.gather [spmem:s1], $0x1000, s30, s29, $0x38;
	[tilespmem:$0x1F700] =	vst v63  }
.LBB2_15:
0x1b3: {  	_ =	sfence.sel $0x180000  }
0x1b4: {  	[bflag:$0x0] =	sbarrier.arrive $0xFFFF  }
0x1b5: {  	_ =	strace $0x90000047  }
0x1b6: {  	[bflag:$0x2] =	sbarrier.arrive $0xFFFF  }
0x1b7: {  	s0 =	rddreg [dreg:$0x4]  }
0x1b8: {  	s0 =	sadd.s32 @!p0 $0x100000, s0  }
0x1b9: {  	[sflag:s0] =	ssyncadd.tile.s32 @!p0 $0x1;
	_ =	shalt  }
.Lfunc_end2:
_tile_overlayer_lowered:
.L_overlay_start_2:
0x1ba: {  	(tag) =	ssettag $0x2  }
0x1bb: {  	s0 =	rddreg [dreg:$0x0];
	s2 =	stileid.u32  }
0x1bc: {  	s1 =	rddreg [dreg:$0x1];
	p0 =	sne.s32 s2, $0x0  }
0x1bd: {  	s3 =	rddreg [dreg:$0x2];
	[bflag:$0x3] =	sbarrier.arrive $0xFFFF;
	s2 =	simm.s32 @!p0 $0x1C07  }
0x1be: {  	[timem:s3], [sflag:s2] =	dma.local @!p0 [hbm:s0], s1  }
0x1bf: {  	s0 =	simm.s32 @!p0 $0x7  }
0x1c0: {  	_ =	swait.ge @!p0 [sflag:s0], s1  }
0x1c1: {  	s1 =	ssub.s32 @!p0 $0x0, s1;
	[sflag:s0] =	ssyncset.done @!p0 $0x0  }
0x1c2: {  	[sflag:s0] =	ssyncadd.s32 @!p0 s1  }
0x1c3: {  	[bflag:$0x3] =	sbarrier.arrive $0xFFFF  }
0x1c4: {  	_ =	shalt  }

</sc_bundles>
